<compile_context>
chip_gen: v7x
topology: tpu7x:2x2x1
jax: 0.10.2.dev20260603
libtpu: 0.0.44.dev20260713+nightly
codegen_flags: <defaults>
</compile_context>

<pallas_src>
import functools
import math

import jax
import jax.numpy as jnp
from jax import lax
from jax.experimental import pallas as pl
from jax.experimental.pallas import tpu as pltpu
from jax.experimental.pallas import tpu_sc as plsc

D_MODEL = 64
SCALE = math.sqrt(D_MODEL)
LANES = 16
VOCAB = 1000000

NUM_CORES = 2
NUM_SUBCORES = 16
NW = NUM_CORES * NUM_SUBCORES

B_TOTAL = 4096 * 200
B_PER_W = B_TOTAL // NW
CHUNK = 128
N_CHUNKS = B_PER_W // CHUNK
NGBUF = 4
NSBUF = 4
N_GROUPS = N_CHUNKS // NGBUF
W = 2 * D_MODEL


@functools.partial(
    pl.kernel,
    out_type=jax.ShapeDtypeStruct((B_TOTAL, W), jnp.float32),
    mesh=plsc.VectorSubcoreMesh(core_axis_name="c", subcore_axis_name="s"),
    compiler_params=pltpu.CompilerParams(use_tc_tiling_on_sc=False),
    scratch_types=(
        [pltpu.VMEM((N_CHUNKS, CHUNK), jnp.int32)]
        + [pltpu.VMEM((CHUNK, D_MODEL), jnp.float32) for _ in range(NGBUF)]
        + [pltpu.VMEM((CHUNK, D_MODEL), jnp.float32) for _ in range(NSBUF)]
        + [pltpu.SemaphoreType.DMA for _ in range(NGBUF + NSBUF)]
    ),
)
def _embed(table_hbm, idx_hbm, out_hbm, idx_v, *bufs_and_sems):
    gbufs = bufs_and_sems[0:NGBUF]
    sbufs = bufs_and_sems[NGBUF:NGBUF + NSBUF]
    gsems = bufs_and_sems[NGBUF + NSBUF:2 * NGBUF + NSBUF]
    ssems = bufs_and_sems[2 * NGBUF + NSBUF:2 * (NGBUF + NSBUF)]

    wid = lax.axis_index("s") * NUM_CORES + lax.axis_index("c")
    base = wid * B_PER_W

    pltpu.sync_copy(idx_hbm.at[wid], idx_v)

    for b in range(NGBUF):
        pltpu.async_copy(table_hbm.at[idx_v.at[b]], gbufs[b], gsems[b])

    def group_body(g, carry):
        for b in range(NGBUF):
            c = g * NGBUF + b
            s = b % NSBUF

            pltpu.make_async_copy(
                table_hbm.at[idx_v.at[c]], gbufs[b], gsems[b]
            ).wait()

            @pl.when((g > 0) | (b >= NSBUF))
            def _():
                pltpu.make_async_copy(
                    sbufs[s],
                    out_hbm.at[pl.ds(base + (c - NSBUF) * CHUNK, CHUNK),
                               pl.ds(0, D_MODEL)],
                    ssems[s],
                ).wait()

            def row4_body(r, c2):
                for rr in range(4):
                    i = r * 4 + rr
                    for j in range(D_MODEL // LANES):
                        sl = pl.ds(j * LANES, LANES)
                        sbufs[s][i, sl] = gbufs[b][i, sl] * SCALE
                return c2

            lax.fori_loop(0, CHUNK // 4, row4_body, 0)

            @pl.when(g < N_GROUPS - 1)
            def _():
                pltpu.async_copy(
                    table_hbm.at[idx_v.at[c + NGBUF]], gbufs[b], gsems[b]
                )

            pltpu.async_copy(
                sbufs[s],
                out_hbm.at[pl.ds(base + c * CHUNK, CHUNK), pl.ds(0, D_MODEL)],
                ssems[s],
            )
        return carry

    lax.fori_loop(0, N_GROUPS, group_body, 0)

    for s in range(NSBUF):
        c = N_CHUNKS - NSBUF + s
        pltpu.make_async_copy(
            sbufs[s],
            out_hbm.at[pl.ds(base + c * CHUNK, CHUNK), pl.ds(0, D_MODEL)],
            ssems[s],
        ).wait()


def kernel(data, embedding_weight):
    idx = data.reshape(NW, N_CHUNKS, CHUNK).astype(jnp.int32)
    out2 = _embed(embedding_weight, idx)
    return out2.reshape(data.shape[0], data.shape[1], W)[..., :D_MODEL]

# --- scband reference (transcript-rebuilt; emitter-appended) ---
"""Pipeline reference for scband-token-embedding-25460566130749 (READ-ONLY COPY).

The authoritative reference and input builder live on the scoring server;
editing this copy changes nothing except your own understanding.
"""

import jax, jax.numpy as jnp
import numpy as np
import math

D_MODEL = 64
VOCAB_SIZE = 1000000
SCALE = math.sqrt(D_MODEL)

def setup_inputs(seed: int = 0) -> dict:
    key = jax.random.key(seed)
    k_idx, k_tab = jax.random.split(key)
    data = jax.random.randint(k_idx, (4096, 200), 0, VOCAB_SIZE, dtype=jnp.int64 if jax.config.jax_enable_x64 else jnp.int32)
    embedding_weight = jax.random.normal(k_tab, (VOCAB_SIZE, D_MODEL), dtype=jnp.float32)
    return {"data": data, "embedding_weight": embedding_weight}

def reference(data, embedding_weight):
    # TokenEmbedding.forward: scale * embedding(data)
    emb = jnp.take(embedding_weight, data, axis=0)
    return SCALE * emb

if __name__ == "__main__":
    import jax
    _d = setup_inputs()
    print(jax.jit(kernel)(*tuple(_d.values())))

</pallas_src>

<mosaic_0001>
#map = affine_map<(d0, d1) -> (0, 0)>
#map1 = affine_map<(d0, d1) -> (0, 0, 0)>
module attributes {stable_mosaic.version = 14 : i64} {
  func.func @_embed(%arg0: i32, %arg1: i32, %arg2: memref<1000000x64xf32, #tpu.memory_space<hbm>>, %arg3: memref<32x200x128xi32, #tpu.memory_space<hbm>>, %arg4: memref<819200x128xf32, #tpu.memory_space<hbm>>, %arg5: memref<200x128xi32, #tpu.memory_space<vmem>>, %arg6: memref<128x64xf32, #tpu.memory_space<vmem>>, %arg7: memref<128x64xf32, #tpu.memory_space<vmem>>, %arg8: memref<128x64xf32, #tpu.memory_space<vmem>>, %arg9: memref<128x64xf32, #tpu.memory_space<vmem>>, %arg10: memref<128x64xf32, #tpu.memory_space<vmem>>, %arg11: memref<128x64xf32, #tpu.memory_space<vmem>>, %arg12: memref<128x64xf32, #tpu.memory_space<vmem>>, %arg13: memref<128x64xf32, #tpu.memory_space<vmem>>, %arg14: memref<!tpu.dma_semaphore, #tpu.memory_space<semaphore_mem>>, %arg15: memref<!tpu.dma_semaphore, #tpu.memory_space<semaphore_mem>>, %arg16: memref<!tpu.dma_semaphore, #tpu.memory_space<semaphore_mem>>, %arg17: memref<!tpu.dma_semaphore, #tpu.memory_space<semaphore_mem>>, %arg18: memref<!tpu.dma_semaphore, #tpu.memory_space<semaphore_mem>>, %arg19: memref<!tpu.dma_semaphore, #tpu.memory_space<semaphore_mem>>, %arg20: memref<!tpu.dma_semaphore, #tpu.memory_space<semaphore_mem>>, %arg21: memref<!tpu.dma_semaphore, #tpu.memory_space<semaphore_mem>>) attributes {dimension_semantics = [#tpu.dimension_semantics<core_parallel>, #tpu.dimension_semantics<subcore_parallel>], iteration_bounds = array<i64: 2, 16>, scalar_prefetch = 0 : i64, scratch_operands = 17 : i64, tpu.core_type = #tpu.core_type<sc_vector_subcore>, window_params = [{transform_indices = #map}, {transform_indices = #map1}, {transform_indices = #map}]} {
    %mul3A = arith.constant 2 : i32
    %mul3A_0 = arith.muli %arg1, %mul3A : i32
    %add3A = arith.addi %mul3A_0, %arg0 : i32
    %mul3A_1 = arith.constant 25600 : i32
    %mul3A_2 = arith.muli %add3A, %mul3A_1 : i32
    "tpu.region"() ({
      %run_scoped3A = tpu.sem_alloc : memref<!tpu.dma_semaphore, #tpu.memory_space<semaphore_mem>>
      %dma_start3A_58 = arith.constant 0 : i32
      %dma_start3A_59 = arith.constant 0 : i32
      %dma_start3A_60 = tpu.memref_slice %arg3[%add3A, %dma_start3A_58, %dma_start3A_59] : memref<32x200x128xi32, #tpu.memory_space<hbm>> -> memref<1x200x128xi32, #tpu.memory_space<hbm>>
      %dma_start3A_61 = tpu.memref_squeeze %dma_start3A_60 : memref<1x200x128xi32, #tpu.memory_space<hbm>> -> memref<200x128xi32, #tpu.memory_space<hbm>>
      %dma_start3A_62 = arith.constant 0 : i32
      %dma_start3A_63 = arith.constant 0 : i32
      %dma_start3A_64 = tpu.memref_slice %arg3[%add3A, %dma_start3A_62, %dma_start3A_63] : memref<32x200x128xi32, #tpu.memory_space<hbm>> -> memref<1x200x128xi32, #tpu.memory_space<hbm>>
      %dma_start3A_65 = tpu.memref_squeeze %dma_start3A_64 : memref<1x200x128xi32, #tpu.memory_space<hbm>> -> memref<200x128xi32, #tpu.memory_space<hbm>>
      tpu.enqueue_dma source(%dma_start3A_65 : memref<200x128xi32, #tpu.memory_space<hbm>>) target(%arg5 : memref<200x128xi32, #tpu.memory_space<vmem>>) target_semaphore(%run_scoped3A : memref<!tpu.dma_semaphore, #tpu.memory_space<semaphore_mem>>)
      %dma_wait3A_66 = arith.constant 0 : i32
      %dma_wait3A_67 = arith.constant 0 : i32
      %dma_wait3A_68 = tpu.memref_slice %arg3[%add3A, %dma_wait3A_66, %dma_wait3A_67] : memref<32x200x128xi32, #tpu.memory_space<hbm>> -> memref<1x200x128xi32, #tpu.memory_space<hbm>>
      %dma_wait3A_69 = tpu.memref_squeeze %dma_wait3A_68 : memref<1x200x128xi32, #tpu.memory_space<hbm>> -> memref<200x128xi32, #tpu.memory_space<hbm>>
      %dma_wait3A_70 = arith.constant 0 : i32
      %dma_wait3A_71 = arith.constant 0 : i32
      %dma_wait3A_72 = tpu.memref_slice %arg3[%add3A, %dma_wait3A_70, %dma_wait3A_71] : memref<32x200x128xi32, #tpu.memory_space<hbm>> -> memref<1x200x128xi32, #tpu.memory_space<hbm>>
      %dma_wait3A_73 = tpu.memref_squeeze %dma_wait3A_72 : memref<1x200x128xi32, #tpu.memory_space<hbm>> -> memref<200x128xi32, #tpu.memory_space<hbm>>
      tpu.wait_dma2 semaphore(%run_scoped3A : memref<!tpu.dma_semaphore, #tpu.memory_space<semaphore_mem>>) src(%dma_wait3A_73 : memref<200x128xi32, #tpu.memory_space<hbm>>) dst(%arg5 : memref<200x128xi32, #tpu.memory_space<vmem>>)
      tpu.yield
    }) : () -> ()
    %dma_start3A = arith.constant 0 : i32
    %dma_start3A_3 = arith.constant 0 : i32
    %dma_start3A_4 = tpu.memref_slice %arg5[%dma_start3A, %dma_start3A_3] : memref<200x128xi32, #tpu.memory_space<vmem>> -> memref<1x128xi32, #tpu.memory_space<vmem>>
    %dma_start3A_5 = tpu.memref_squeeze %dma_start3A_4 : memref<1x128xi32, #tpu.memory_space<vmem>> -> memref<128xi32, #tpu.memory_space<vmem>>
    %dma_start3A_6 = arith.constant 0 : i32
    %dma_start3A_7 = arith.constant 0 : i32
    %dma_start3A_8 = tpu.memref_slice %arg2[%dma_start3A_6, %dma_start3A_7] : memref<1000000x64xf32, #tpu.memory_space<hbm>> -> memref<1000000x64xf32, #tpu.memory_space<hbm>>
    tpu.enqueue_indirect_dma source(%dma_start3A_8 : memref<1000000x64xf32, #tpu.memory_space<hbm>>) target(%arg6 : memref<128x64xf32, #tpu.memory_space<vmem>>) offsets(%dma_start3A_5 : memref<128xi32, #tpu.memory_space<vmem>>) semaphore(%arg14 : memref<!tpu.dma_semaphore, #tpu.memory_space<semaphore_mem>>)
    %dma_start3A_9 = arith.constant 1 : i32
    %dma_start3A_10 = arith.constant 0 : i32
    %dma_start3A_11 = tpu.memref_slice %arg5[%dma_start3A_9, %dma_start3A_10] : memref<200x128xi32, #tpu.memory_space<vmem>> -> memref<1x128xi32, #tpu.memory_space<vmem>>
    %dma_start3A_12 = tpu.memref_squeeze %dma_start3A_11 : memref<1x128xi32, #tpu.memory_space<vmem>> -> memref<128xi32, #tpu.memory_space<vmem>>
    %dma_start3A_13 = arith.constant 0 : i32
    %dma_start3A_14 = arith.constant 0 : i32
    %dma_start3A_15 = tpu.memref_slice %arg2[%dma_start3A_13, %dma_start3A_14] : memref<1000000x64xf32, #tpu.memory_space<hbm>> -> memref<1000000x64xf32, #tpu.memory_space<hbm>>
    tpu.enqueue_indirect_dma source(%dma_start3A_15 : memref<1000000x64xf32, #tpu.memory_space<hbm>>) target(%arg7 : memref<128x64xf32, #tpu.memory_space<vmem>>) offsets(%dma_start3A_12 : memref<128xi32, #tpu.memory_space<vmem>>) semaphore(%arg15 : memref<!tpu.dma_semaphore, #tpu.memory_space<semaphore_mem>>)
    %dma_start3A_16 = arith.constant 2 : i32
    %dma_start3A_17 = arith.constant 0 : i32
    %dma_start3A_18 = tpu.memref_slice %arg5[%dma_start3A_16, %dma_start3A_17] : memref<200x128xi32, #tpu.memory_space<vmem>> -> memref<1x128xi32, #tpu.memory_space<vmem>>
    %dma_start3A_19 = tpu.memref_squeeze %dma_start3A_18 : memref<1x128xi32, #tpu.memory_space<vmem>> -> memref<128xi32, #tpu.memory_space<vmem>>
    %dma_start3A_20 = arith.constant 0 : i32
    %dma_start3A_21 = arith.constant 0 : i32
    %dma_start3A_22 = tpu.memref_slice %arg2[%dma_start3A_20, %dma_start3A_21] : memref<1000000x64xf32, #tpu.memory_space<hbm>> -> memref<1000000x64xf32, #tpu.memory_space<hbm>>
    tpu.enqueue_indirect_dma source(%dma_start3A_22 : memref<1000000x64xf32, #tpu.memory_space<hbm>>) target(%arg8 : memref<128x64xf32, #tpu.memory_space<vmem>>) offsets(%dma_start3A_19 : memref<128xi32, #tpu.memory_space<vmem>>) semaphore(%arg16 : memref<!tpu.dma_semaphore, #tpu.memory_space<semaphore_mem>>)
    %dma_start3A_23 = arith.constant 3 : i32
    %dma_start3A_24 = arith.constant 0 : i32
    %dma_start3A_25 = tpu.memref_slice %arg5[%dma_start3A_23, %dma_start3A_24] : memref<200x128xi32, #tpu.memory_space<vmem>> -> memref<1x128xi32, #tpu.memory_space<vmem>>
    %dma_start3A_26 = tpu.memref_squeeze %dma_start3A_25 : memref<1x128xi32, #tpu.memory_space<vmem>> -> memref<128xi32, #tpu.memory_space<vmem>>
    %dma_start3A_27 = arith.constant 0 : i32
    %dma_start3A_28 = arith.constant 0 : i32
    %dma_start3A_29 = tpu.memref_slice %arg2[%dma_start3A_27, %dma_start3A_28] : memref<1000000x64xf32, #tpu.memory_space<hbm>> -> memref<1000000x64xf32, #tpu.memory_space<hbm>>
    tpu.enqueue_indirect_dma source(%dma_start3A_29 : memref<1000000x64xf32, #tpu.memory_space<hbm>>) target(%arg9 : memref<128x64xf32, #tpu.memory_space<vmem>>) offsets(%dma_start3A_26 : memref<128xi32, #tpu.memory_space<vmem>>) semaphore(%arg17 : memref<!tpu.dma_semaphore, #tpu.memory_space<semaphore_mem>>)
    %scan3A = arith.constant 0 : i32
    %scan3A_30 = arith.constant 0 : i32
    %scan3A_31 = arith.constant 50 : i32
    %scan3A_32 = arith.addi %scan3A_30, %scan3A_31 : i32
    %scan3A_33 = arith.constant 1 : i32
    scf.for %scan3A_58 = %scan3A_30 to %scan3A_32 step %scan3A_33  : i32 {
      %mul3A_59 = arith.constant 4 : i32
      %mul3A_60 = arith.muli %scan3A_58, %mul3A_59 : i32
      %add3A_61 = arith.constant 0 : i32
      %add3A_62 = arith.addi %mul3A_60, %add3A_61 : i32
      %dma_wait3A_63 = arith.constant 0 : i32
      %dma_wait3A_64 = tpu.memref_slice %arg5[%add3A_62, %dma_wait3A_63] : memref<200x128xi32, #tpu.memory_space<vmem>> -> memref<1x128xi32, #tpu.memory_space<vmem>>
      %dma_wait3A_65 = tpu.memref_squeeze %dma_wait3A_64 : memref<1x128xi32, #tpu.memory_space<vmem>> -> memref<128xi32, #tpu.memory_space<vmem>>
      %dma_wait3A_66 = arith.constant 0 : i32
      %dma_wait3A_67 = arith.constant 0 : i32
      %dma_wait3A_68 = tpu.memref_slice %arg2[%dma_wait3A_66, %dma_wait3A_67] : memref<1000000x64xf32, #tpu.memory_space<hbm>> -> memref<1000000x64xf32, #tpu.memory_space<hbm>>
      tpu.wait_indirect_dma semaphore(%arg14 : memref<!tpu.dma_semaphore, #tpu.memory_space<semaphore_mem>>) src(%dma_wait3A_68 : memref<1000000x64xf32, #tpu.memory_space<hbm>>) dst(%arg6 : memref<128x64xf32, #tpu.memory_space<vmem>>)
      %gt3A = arith.constant 0 : i32
      %gt3A_69 = arith.cmpi sgt, %scan3A_58, %gt3A : i32
      %or3A = arith.constant false
      %or3A_70 = arith.ori %gt3A_69, %or3A : i1
      %convert_element_type3A = arith.extui %or3A_70 : i1 to i32
      %cond3A = arith.constant 0 : i32
      %cond3A_71 = arith.cmpi ne, %convert_element_type3A, %cond3A : i32
      scf.if %cond3A_71 {
        %sub3A = arith.constant 4 : i32
        %sub3A_194 = arith.subi %add3A_62, %sub3A : i32
        %mul3A_195 = arith.constant 128 : i32
        %mul3A_196 = arith.muli %sub3A_194, %mul3A_195 : i32
        %add3A_197 = arith.addi %mul3A_2, %mul3A_196 : i32
        %dma_wait3A_198 = arith.constant 0 : i32
        %dma_wait3A_199 = tpu.memref_slice %arg4[%add3A_197, %dma_wait3A_198] : memref<819200x128xf32, #tpu.memory_space<hbm>> -> memref<128x64xf32, #tpu.memory_space<hbm>>
        %dma_wait3A_200 = arith.constant 0 : i32
        %dma_wait3A_201 = tpu.memref_slice %arg4[%add3A_197, %dma_wait3A_200] : memref<819200x128xf32, #tpu.memory_space<hbm>> -> memref<128x64xf32, #tpu.memory_space<hbm>>
        tpu.wait_dma2 semaphore(%arg18 : memref<!tpu.dma_semaphore, #tpu.memory_space<semaphore_mem>>) src(%arg10 : memref<128x64xf32, #tpu.memory_space<vmem>>) dst(%dma_wait3A_201 : memref<128x64xf32, #tpu.memory_space<hbm>>)
      } else {
      }
      %scan3A_72 = arith.constant 0 : i32
      %scan3A_73 = arith.constant 0 : i32
      %scan3A_74 = arith.constant 32 : i32
      %scan3A_75 = arith.addi %scan3A_73, %scan3A_74 : i32
      %scan3A_76 = arith.constant 1 : i32
      scf.for %scan3A_194 = %scan3A_73 to %scan3A_75 step %scan3A_76  : i32 {
        %mul3A_195 = arith.constant 4 : i32
        %mul3A_196 = arith.muli %scan3A_194, %mul3A_195 : i32
        %add3A_197 = arith.constant 0 : i32
        %add3A_198 = arith.addi %mul3A_196, %add3A_197 : i32
        %get3A = arith.index_cast %add3A_198 : i32 to index
        %get3A_199 = arith.constant 0 : index
        %get3A_200 = tpu.vector_load %arg6[%get3A, %get3A_199] {strides = array<i32>} : memref<128x64xf32, #tpu.memory_space<vmem>>, vector<1x16xf32>,
        %get3A_201 = vector.shape_cast %get3A_200 : vector<1x16xf32> to vector<16xf32>
        %mul3A_202 = arith.constant 8.000000e+00 : f32
        %mul3A_203 = vector.broadcast %mul3A_202 : f32 to vector<16xf32>
        %mul3A_204 = arith.mulf %get3A_201, %mul3A_203 : vector<16xf32>
        %swap3A = arith.index_cast %add3A_198 : i32 to index
        %swap3A_205 = arith.constant 0 : index
        %swap3A_206 = tpu.vector_load %arg10[%swap3A, %swap3A_205] {strides = array<i32>} : memref<128x64xf32, #tpu.memory_space<vmem>>, vector<1x16xf32>,
        %swap3A_207 = vector.shape_cast %swap3A_206 : vector<1x16xf32> to vector<16xf32>
        %swap3A_208 = vector.shape_cast %mul3A_204 : vector<16xf32> to vector<1x16xf32>
        tpu.vector_store %arg10[%swap3A, %swap3A_205], %swap3A_208 {strides = array<i32>} : memref<128x64xf32, #tpu.memory_space<vmem>>, vector<1x16xf32>,
        %get3A_209 = arith.index_cast %add3A_198 : i32 to index
        %get3A_210 = arith.constant 16 : index
        %get3A_211 = tpu.vector_load %arg6[%get3A_209, %get3A_210] {strides = array<i32>} : memref<128x64xf32, #tpu.memory_space<vmem>>, vector<1x16xf32>,
        %get3A_212 = vector.shape_cast %get3A_211 : vector<1x16xf32> to vector<16xf32>
        %mul3A_213 = arith.constant 8.000000e+00 : f32
        %mul3A_214 = vector.broadcast %mul3A_213 : f32 to vector<16xf32>
        %mul3A_215 = arith.mulf %get3A_212, %mul3A_214 : vector<16xf32>
        %swap3A_216 = arith.index_cast %add3A_198 : i32 to index
        %swap3A_217 = arith.constant 16 : index
        %swap3A_218 = tpu.vector_load %arg10[%swap3A_216, %swap3A_217] {strides = array<i32>} : memref<128x64xf32, #tpu.memory_space<vmem>>, vector<1x16xf32>,
        %swap3A_219 = vector.shape_cast %swap3A_218 : vector<1x16xf32> to vector<16xf32>
        %swap3A_220 = vector.shape_cast %mul3A_215 : vector<16xf32> to vector<1x16xf32>
        tpu.vector_store %arg10[%swap3A_216, %swap3A_217], %swap3A_220 {strides = array<i32>} : memref<128x64xf32, #tpu.memory_space<vmem>>, vector<1x16xf32>,
        %get3A_221 = arith.index_cast %add3A_198 : i32 to index
        %get3A_222 = arith.constant 32 : index
        %get3A_223 = tpu.vector_load %arg6[%get3A_221, %get3A_222] {strides = array<i32>} : memref<128x64xf32, #tpu.memory_space<vmem>>, vector<1x16xf32>,
        %get3A_224 = vector.shape_cast %get3A_223 : vector<1x16xf32> to vector<16xf32>
        %mul3A_225 = arith.constant 8.000000e+00 : f32
        %mul3A_226 = vector.broadcast %mul3A_225 : f32 to vector<16xf32>
        %mul3A_227 = arith.mulf %get3A_224, %mul3A_226 : vector<16xf32>
        %swap3A_228 = arith.index_cast %add3A_198 : i32 to index
        %swap3A_229 = arith.constant 32 : index
        %swap3A_230 = tpu.vector_load %arg10[%swap3A_228, %swap3A_229] {strides = array<i32>} : memref<128x64xf32, #tpu.memory_space<vmem>>, vector<1x16xf32>,
        %swap3A_231 = vector.shape_cast %swap3A_230 : vector<1x16xf32> to vector<16xf32>
        %swap3A_232 = vector.shape_cast %mul3A_227 : vector<16xf32> to vector<1x16xf32>
        tpu.vector_store %arg10[%swap3A_228, %swap3A_229], %swap3A_232 {strides = array<i32>} : memref<128x64xf32, #tpu.memory_space<vmem>>, vector<1x16xf32>,
        %get3A_233 = arith.index_cast %add3A_198 : i32 to index
        %get3A_234 = arith.constant 48 : index
        %get3A_235 = tpu.vector_load %arg6[%get3A_233, %get3A_234] {strides = array<i32>} : memref<128x64xf32, #tpu.memory_space<vmem>>, vector<1x16xf32>,
        %get3A_236 = vector.shape_cast %get3A_235 : vector<1x16xf32> to vector<16xf32>
        %mul3A_237 = arith.constant 8.000000e+00 : f32
        %mul3A_238 = vector.broadcast %mul3A_237 : f32 to vector<16xf32>
        %mul3A_239 = arith.mulf %get3A_236, %mul3A_238 : vector<16xf32>
        %swap3A_240 = arith.index_cast %add3A_198 : i32 to index
        %swap3A_241 = arith.constant 48 : index
        %swap3A_242 = tpu.vector_load %arg10[%swap3A_240, %swap3A_241] {strides = array<i32>} : memref<128x64xf32, #tpu.memory_space<vmem>>, vector<1x16xf32>,
        %swap3A_243 = vector.shape_cast %swap3A_242 : vector<1x16xf32> to vector<16xf32>
        %swap3A_244 = vector.shape_cast %mul3A_239 : vector<16xf32> to vector<1x16xf32>
        tpu.vector_store %arg10[%swap3A_240, %swap3A_241], %swap3A_244 {strides = array<i32>} : memref<128x64xf32, #tpu.memory_space<vmem>>, vector<1x16xf32>,
        %mul3A_245 = arith.constant 4 : i32
        %mul3A_246 = arith.muli %scan3A_194, %mul3A_245 : i32
        %add3A_247 = arith.constant 1 : i32
        %add3A_248 = arith.addi %mul3A_246, %add3A_247 : i32
        %get3A_249 = arith.index_cast %add3A_248 : i32 to index
        %get3A_250 = arith.constant 0 : index
        %get3A_251 = tpu.vector_load %arg6[%get3A_249, %get3A_250] {strides = array<i32>} : memref<128x64xf32, #tpu.memory_space<vmem>>, vector<1x16xf32>,
        %get3A_252 = vector.shape_cast %get3A_251 : vector<1x16xf32> to vector<16xf32>
        %mul3A_253 = arith.constant 8.000000e+00 : f32
        %mul3A_254 = vector.broadcast %mul3A_253 : f32 to vector<16xf32>
        %mul3A_255 = arith.mulf %get3A_252, %mul3A_254 : vector<16xf32>
        %swap3A_256 = arith.index_cast %add3A_248 : i32 to index
        %swap3A_257 = arith.constant 0 : index
        %swap3A_258 = tpu.vector_load %arg10[%swap3A_256, %swap3A_257] {strides = array<i32>} : memref<128x64xf32, #tpu.memory_space<vmem>>, vector<1x16xf32>,
        %swap3A_259 = vector.shape_cast %swap3A_258 : vector<1x16xf32> to vector<16xf32>
        %swap3A_260 = vector.shape_cast %mul3A_255 : vector<16xf32> to vector<1x16xf32>
        tpu.vector_store %arg10[%swap3A_256, %swap3A_257], %swap3A_260 {strides = array<i32>} : memref<128x64xf32, #tpu.memory_space<vmem>>, vector<1x16xf32>,
        %get3A_261 = arith.index_cast %add3A_248 : i32 to index
        %get3A_262 = arith.constant 16 : index
        %get3A_263 = tpu.vector_load %arg6[%get3A_261, %get3A_262] {strides = array<i32>} : memref<128x64xf32, #tpu.memory_space<vmem>>, vector<1x16xf32>,
        %get3A_264 = vector.shape_cast %get3A_263 : vector<1x16xf32> to vector<16xf32>
        %mul3A_265 = arith.constant 8.000000e+00 : f32
        %mul3A_266 = vector.broadcast %mul3A_265 : f32 to vector<16xf32>
        %mul3A_267 = arith.mulf %get3A_264, %mul3A_266 : vector<16xf32>
        %swap3A_268 = arith.index_cast %add3A_248 : i32 to index
        %swap3A_269 = arith.constant 16 : index
        %swap3A_270 = tpu.vector_load %arg10[%swap3A_268, %swap3A_269] {strides = array<i32>} : memref<128x64xf32, #tpu.memory_space<vmem>>, vector<1x16xf32>,
        %swap3A_271 = vector.shape_cast %swap3A_270 : vector<1x16xf32> to vector<16xf32>
        %swap3A_272 = vector.shape_cast %mul3A_267 : vector<16xf32> to vector<1x16xf32>
        tpu.vector_store %arg10[%swap3A_268, %swap3A_269], %swap3A_272 {strides = array<i32>} : memref<128x64xf32, #tpu.memory_space<vmem>>, vector<1x16xf32>,
        %get3A_273 = arith.index_cast %add3A_248 : i32 to index
        %get3A_274 = arith.constant 32 : index
        %get3A_275 = tpu.vector_load %arg6[%get3A_273, %get3A_274] {strides = array<i32>} : memref<128x64xf32, #tpu.memory_space<vmem>>, vector<1x16xf32>,
        %get3A_276 = vector.shape_cast %get3A_275 : vector<1x16xf32> to vector<16xf32>
        %mul3A_277 = arith.constant 8.000000e+00 : f32
        %mul3A_278 = vector.broadcast %mul3A_277 : f32 to vector<16xf32>
        %mul3A_279 = arith.mulf %get3A_276, %mul3A_278 : vector<16xf32>
        %swap3A_280 = arith.index_cast %add3A_248 : i32 to index
        %swap3A_281 = arith.constant 32 : index
        %swap3A_282 = tpu.vector_load %arg10[%swap3A_280, %swap3A_281] {strides = array<i32>} : memref<128x64xf32, #tpu.memory_space<vmem>>, vector<1x16xf32>,
        %swap3A_283 = vector.shape_cast %swap3A_282 : vector<1x16xf32> to vector<16xf32>
        %swap3A_284 = vector.shape_cast %mul3A_279 : vector<16xf32> to vector<1x16xf32>
        tpu.vector_store %arg10[%swap3A_280, %swap3A_281], %swap3A_284 {strides = array<i32>} : memref<128x64xf32, #tpu.memory_space<vmem>>, vector<1x16xf32>,
        %get3A_285 = arith.index_cast %add3A_248 : i32 to index
        %get3A_286 = arith.constant 48 : index
        %get3A_287 = tpu.vector_load %arg6[%get3A_285, %get3A_286] {strides = array<i32>} : memref<128x64xf32, #tpu.memory_space<vmem>>, vector<1x16xf32>,
        %get3A_288 = vector.shape_cast %get3A_287 : vector<1x16xf32> to vector<16xf32>
        %mul3A_289 = arith.constant 8.000000e+00 : f32
        %mul3A_290 = vector.broadcast %mul3A_289 : f32 to vector<16xf32>
        %mul3A_291 = arith.mulf %get3A_288, %mul3A_290 : vector<16xf32>
        %swap3A_292 = arith.index_cast %add3A_248 : i32 to index
        %swap3A_293 = arith.constant 48 : index
        %swap3A_294 = tpu.vector_load %arg10[%swap3A_292, %swap3A_293] {strides = array<i32>} : memref<128x64xf32, #tpu.memory_space<vmem>>, vector<1x16xf32>,
        %swap3A_295 = vector.shape_cast %swap3A_294 : vector<1x16xf32> to vector<16xf32>
        %swap3A_296 = vector.shape_cast %mul3A_291 : vector<16xf32> to vector<1x16xf32>
        tpu.vector_store %arg10[%swap3A_292, %swap3A_293], %swap3A_296 {strides = array<i32>} : memref<128x64xf32, #tpu.memory_space<vmem>>, vector<1x16xf32>,
        %mul3A_297 = arith.constant 4 : i32
        %mul3A_298 = arith.muli %scan3A_194, %mul3A_297 : i32
        %add3A_299 = arith.constant 2 : i32
        %add3A_300 = arith.addi %mul3A_298, %add3A_299 : i32
        %get3A_301 = arith.index_cast %add3A_300 : i32 to index
        %get3A_302 = arith.constant 0 : index
        %get3A_303 = tpu.vector_load %arg6[%get3A_301, %get3A_302] {strides = array<i32>} : memref<128x64xf32, #tpu.memory_space<vmem>>, vector<1x16xf32>,
        %get3A_304 = vector.shape_cast %get3A_303 : vector<1x16xf32> to vector<16xf32>
        %mul3A_305 = arith.constant 8.000000e+00 : f32
        %mul3A_306 = vector.broadcast %mul3A_305 : f32 to vector<16xf32>
        %mul3A_307 = arith.mulf %get3A_304, %mul3A_306 : vector<16xf32>
        %swap3A_308 = arith.index_cast %add3A_300 : i32 to index
        %swap3A_309 = arith.constant 0 : index
        %swap3A_310 = tpu.vector_load %arg10[%swap3A_308, %swap3A_309] {strides = array<i32>} : memref<128x64xf32, #tpu.memory_space<vmem>>, vector<1x16xf32>,
        %swap3A_311 = vector.shape_cast %swap3A_310 : vector<1x16xf32> to vector<16xf32>
        %swap3A_312 = vector.shape_cast %mul3A_307 : vector<16xf32> to vector<1x16xf32>
        tpu.vector_store %arg10[%swap3A_308, %swap3A_309], %swap3A_312 {strides = array<i32>} : memref<128x64xf32, #tpu.memory_space<vmem>>, vector<1x16xf32>,
        %get3A_313 = arith.index_cast %add3A_300 : i32 to index
        %get3A_314 = arith.constant 16 : index
        %get3A_315 = tpu.vector_load %arg6[%get3A_313, %get3A_314] {strides = array<i32>} : memref<128x64xf32, #tpu.memory_space<vmem>>, vector<1x16xf32>,
        %get3A_316 = vector.shape_cast %get3A_315 : vector<1x16xf32> to vector<16xf32>
        %mul3A_317 = arith.constant 8.000000e+00 : f32
        %mul3A_318 = vector.broadcast %mul3A_317 : f32 to vector<16xf32>
        %mul3A_319 = arith.mulf %get3A_316, %mul3A_318 : vector<16xf32>
        %swap3A_320 = arith.index_cast %add3A_300 : i32 to index
        %swap3A_321 = arith.constant 16 : index
        %swap3A_322 = tpu.vector_load %arg10[%swap3A_320, %swap3A_321] {strides = array<i32>} : memref<128x64xf32, #tpu.memory_space<vmem>>, vector<1x16xf32>,
        %swap3A_323 = vector.shape_cast %swap3A_322 : vector<1x16xf32> to vector<16xf32>
        %swap3A_324 = vector.shape_cast %mul3A_319 : vector<16xf32> to vector<1x16xf32>
        tpu.vector_store %arg10[%swap3A_320, %swap3A_321], %swap3A_324 {strides = array<i32>} : memref<128x64xf32, #tpu.memory_space<vmem>>, vector<1x16xf32>,
        %get3A_325 = arith.index_cast %add3A_300 : i32 to index
        %get3A_326 = arith.constant 32 : index
        %get3A_327 = tpu.vector_load %arg6[%get3A_325, %get3A_326] {strides = array<i32>} : memref<128x64xf32, #tpu.memory_space<vmem>>, vector<1x16xf32>,
        %get3A_328 = vector.shape_cast %get3A_327 : vector<1x16xf32> to vector<16xf32>
        %mul3A_329 = arith.constant 8.000000e+00 : f32
        %mul3A_330 = vector.broadcast %mul3A_329 : f32 to vector<16xf32>
        %mul3A_331 = arith.mulf %get3A_328, %mul3A_330 : vector<16xf32>
        %swap3A_332 = arith.index_cast %add3A_300 : i32 to index
        %swap3A_333 = arith.constant 32 : index
        %swap3A_334 = tpu.vector_load %arg10[%swap3A_332, %swap3A_333] {strides = array<i32>} : memref<128x64xf32, #tpu.memory_space<vmem>>, vector<1x16xf32>,
        %swap3A_335 = vector.shape_cast %swap3A_334 : vector<1x16xf32> to vector<16xf32>
        %swap3A_336 = vector.shape_cast %mul3A_331 : vector<16xf32> to vector<1x16xf32>
        tpu.vector_store %arg10[%swap3A_332, %swap3A_333], %swap3A_336 {strides = array<i32>} : memref<128x64xf32, #tpu.memory_space<vmem>>, vector<1x16xf32>,
        %get3A_337 = arith.index_cast %add3A_300 : i32 to index
        %get3A_338 = arith.constant 48 : index
        %get3A_339 = tpu.vector_load %arg6[%get3A_337, %get3A_338] {strides = array<i32>} : memref<128x64xf32, #tpu.memory_space<vmem>>, vector<1x16xf32>,
        %get3A_340 = vector.shape_cast %get3A_339 : vector<1x16xf32> to vector<16xf32>
        %mul3A_341 = arith.constant 8.000000e+00 : f32
        %mul3A_342 = vector.broadcast %mul3A_341 : f32 to vector<16xf32>
        %mul3A_343 = arith.mulf %get3A_340, %mul3A_342 : vector<16xf32>
        %swap3A_344 = arith.index_cast %add3A_300 : i32 to index
        %swap3A_345 = arith.constant 48 : index
        %swap3A_346 = tpu.vector_load %arg10[%swap3A_344, %swap3A_345] {strides = array<i32>} : memref<128x64xf32, #tpu.memory_space<vmem>>, vector<1x16xf32>,
        %swap3A_347 = vector.shape_cast %swap3A_346 : vector<1x16xf32> to vector<16xf32>
        %swap3A_348 = vector.shape_cast %mul3A_343 : vector<16xf32> to vector<1x16xf32>
        tpu.vector_store %arg10[%swap3A_344, %swap3A_345], %swap3A_348 {strides = array<i32>} : memref<128x64xf32, #tpu.memory_space<vmem>>, vector<1x16xf32>,
        %mul3A_349 = arith.constant 4 : i32
        %mul3A_350 = arith.muli %scan3A_194, %mul3A_349 : i32
        %add3A_351 = arith.constant 3 : i32
        %add3A_352 = arith.addi %mul3A_350, %add3A_351 : i32
        %get3A_353 = arith.index_cast %add3A_352 : i32 to index
        %get3A_354 = arith.constant 0 : index
        %get3A_355 = tpu.vector_load %arg6[%get3A_353, %get3A_354] {strides = array<i32>} : memref<128x64xf32, #tpu.memory_space<vmem>>, vector<1x16xf32>,
        %get3A_356 = vector.shape_cast %get3A_355 : vector<1x16xf32> to vector<16xf32>
        %mul3A_357 = arith.constant 8.000000e+00 : f32
        %mul3A_358 = vector.broadcast %mul3A_357 : f32 to vector<16xf32>
        %mul3A_359 = arith.mulf %get3A_356, %mul3A_358 : vector<16xf32>
        %swap3A_360 = arith.index_cast %add3A_352 : i32 to index
        %swap3A_361 = arith.constant 0 : index
        %swap3A_362 = tpu.vector_load %arg10[%swap3A_360, %swap3A_361] {strides = array<i32>} : memref<128x64xf32, #tpu.memory_space<vmem>>, vector<1x16xf32>,
        %swap3A_363 = vector.shape_cast %swap3A_362 : vector<1x16xf32> to vector<16xf32>
        %swap3A_364 = vector.shape_cast %mul3A_359 : vector<16xf32> to vector<1x16xf32>
        tpu.vector_store %arg10[%swap3A_360, %swap3A_361], %swap3A_364 {strides = array<i32>} : memref<128x64xf32, #tpu.memory_space<vmem>>, vector<1x16xf32>,
        %get3A_365 = arith.index_cast %add3A_352 : i32 to index
        %get3A_366 = arith.constant 16 : index
        %get3A_367 = tpu.vector_load %arg6[%get3A_365, %get3A_366] {strides = array<i32>} : memref<128x64xf32, #tpu.memory_space<vmem>>, vector<1x16xf32>,
        %get3A_368 = vector.shape_cast %get3A_367 : vector<1x16xf32> to vector<16xf32>
        %mul3A_369 = arith.constant 8.000000e+00 : f32
        %mul3A_370 = vector.broadcast %mul3A_369 : f32 to vector<16xf32>
        %mul3A_371 = arith.mulf %get3A_368, %mul3A_370 : vector<16xf32>
        %swap3A_372 = arith.index_cast %add3A_352 : i32 to index
        %swap3A_373 = arith.constant 16 : index
        %swap3A_374 = tpu.vector_load %arg10[%swap3A_372, %swap3A_373] {strides = array<i32>} : memref<128x64xf32, #tpu.memory_space<vmem>>, vector<1x16xf32>,
        %swap3A_375 = vector.shape_cast %swap3A_374 : vector<1x16xf32> to vector<16xf32>
        %swap3A_376 = vector.shape_cast %mul3A_371 : vector<16xf32> to vector<1x16xf32>
        tpu.vector_store %arg10[%swap3A_372, %swap3A_373], %swap3A_376 {strides = array<i32>} : memref<128x64xf32, #tpu.memory_space<vmem>>, vector<1x16xf32>,
        %get3A_377 = arith.index_cast %add3A_352 : i32 to index
        %get3A_378 = arith.constant 32 : index
        %get3A_379 = tpu.vector_load %arg6[%get3A_377, %get3A_378] {strides = array<i32>} : memref<128x64xf32, #tpu.memory_space<vmem>>, vector<1x16xf32>,
        %get3A_380 = vector.shape_cast %get3A_379 : vector<1x16xf32> to vector<16xf32>
        %mul3A_381 = arith.constant 8.000000e+00 : f32
        %mul3A_382 = vector.broadcast %mul3A_381 : f32 to vector<16xf32>
        %mul3A_383 = arith.mulf %get3A_380, %mul3A_382 : vector<16xf32>
        %swap3A_384 = arith.index_cast %add3A_352 : i32 to index
        %swap3A_385 = arith.constant 32 : index
        %swap3A_386 = tpu.vector_load %arg10[%swap3A_384, %swap3A_385] {strides = array<i32>} : memref<128x64xf32, #tpu.memory_space<vmem>>, vector<1x16xf32>,
        %swap3A_387 = vector.shape_cast %swap3A_386 : vector<1x16xf32> to vector<16xf32>
        %swap3A_388 = vector.shape_cast %mul3A_383 : vector<16xf32> to vector<1x16xf32>
        tpu.vector_store %arg10[%swap3A_384, %swap3A_385], %swap3A_388 {strides = array<i32>} : memref<128x64xf32, #tpu.memory_space<vmem>>, vector<1x16xf32>,
        %get3A_389 = arith.index_cast %add3A_352 : i32 to index
        %get3A_390 = arith.constant 48 : index
        %get3A_391 = tpu.vector_load %arg6[%get3A_389, %get3A_390] {strides = array<i32>} : memref<128x64xf32, #tpu.memory_space<vmem>>, vector<1x16xf32>,
        %get3A_392 = vector.shape_cast %get3A_391 : vector<1x16xf32> to vector<16xf32>
        %mul3A_393 = arith.constant 8.000000e+00 : f32
        %mul3A_394 = vector.broadcast %mul3A_393 : f32 to vector<16xf32>
        %mul3A_395 = arith.mulf %get3A_392, %mul3A_394 : vector<16xf32>
        %swap3A_396 = arith.index_cast %add3A_352 : i32 to index
        %swap3A_397 = arith.constant 48 : index
        %swap3A_398 = tpu.vector_load %arg10[%swap3A_396, %swap3A_397] {strides = array<i32>} : memref<128x64xf32, #tpu.memory_space<vmem>>, vector<1x16xf32>,
        %swap3A_399 = vector.shape_cast %swap3A_398 : vector<1x16xf32> to vector<16xf32>
        %swap3A_400 = vector.shape_cast %mul3A_395 : vector<16xf32> to vector<1x16xf32>
        tpu.vector_store %arg10[%swap3A_396, %swap3A_397], %swap3A_400 {strides = array<i32>} : memref<128x64xf32, #tpu.memory_space<vmem>>, vector<1x16xf32>,
      }
      %scan3A_77 = arith.constant 32 : i32
      %lt3A = arith.constant 49 : i32
      %lt3A_78 = arith.cmpi slt, %scan3A_58, %lt3A : i32
      %convert_element_type3A_79 = arith.extui %lt3A_78 : i1 to i32
      %cond3A_80 = arith.constant 0 : i32
      %cond3A_81 = arith.cmpi ne, %convert_element_type3A_79, %cond3A_80 : i32
      scf.if %cond3A_81 {
        %add3A_194 = arith.constant 4 : i32
        %add3A_195 = arith.addi %add3A_62, %add3A_194 : i32
        %dma_start3A_196 = arith.constant 0 : i32
        %dma_start3A_197 = tpu.memref_slice %arg5[%add3A_195, %dma_start3A_196] : memref<200x128xi32, #tpu.memory_space<vmem>> -> memref<1x128xi32, #tpu.memory_space<vmem>>
        %dma_start3A_198 = tpu.memref_squeeze %dma_start3A_197 : memref<1x128xi32, #tpu.memory_space<vmem>> -> memref<128xi32, #tpu.memory_space<vmem>>
        %dma_start3A_199 = arith.constant 0 : i32
        %dma_start3A_200 = arith.constant 0 : i32
        %dma_start3A_201 = tpu.memref_slice %arg2[%dma_start3A_199, %dma_start3A_200] : memref<1000000x64xf32, #tpu.memory_space<hbm>> -> memref<1000000x64xf32, #tpu.memory_space<hbm>>
        tpu.enqueue_indirect_dma source(%dma_start3A_201 : memref<1000000x64xf32, #tpu.memory_space<hbm>>) target(%arg6 : memref<128x64xf32, #tpu.memory_space<vmem>>) offsets(%dma_start3A_198 : memref<128xi32, #tpu.memory_space<vmem>>) semaphore(%arg14 : memref<!tpu.dma_semaphore, #tpu.memory_space<semaphore_mem>>)
      } else {
      }
      %mul3A_82 = arith.constant 128 : i32
      %mul3A_83 = arith.muli %add3A_62, %mul3A_82 : i32
      %add3A_84 = arith.addi %mul3A_2, %mul3A_83 : i32
      %dma_start3A_85 = arith.constant 0 : i32
      %dma_start3A_86 = tpu.memref_slice %arg4[%add3A_84, %dma_start3A_85] : memref<819200x128xf32, #tpu.memory_space<hbm>> -> memref<128x64xf32, #tpu.memory_space<hbm>>
      %dma_start3A_87 = arith.constant 0 : i32
      %dma_start3A_88 = tpu.memref_slice %arg4[%add3A_84, %dma_start3A_87] : memref<819200x128xf32, #tpu.memory_space<hbm>> -> memref<128x64xf32, #tpu.memory_space<hbm>>
      tpu.enqueue_dma source(%arg10 : memref<128x64xf32, #tpu.memory_space<vmem>>) target(%dma_start3A_88 : memref<128x64xf32, #tpu.memory_space<hbm>>) target_semaphore(%arg18 : memref<!tpu.dma_semaphore, #tpu.memory_space<semaphore_mem>>)
      %mul3A_89 = arith.constant 4 : i32
      %mul3A_90 = arith.muli %scan3A_58, %mul3A_89 : i32
      %add3A_91 = arith.constant 1 : i32
      %add3A_92 = arith.addi %mul3A_90, %add3A_91 : i32
      %dma_wait3A_93 = arith.constant 0 : i32
      %dma_wait3A_94 = tpu.memref_slice %arg5[%add3A_92, %dma_wait3A_93] : memref<200x128xi32, #tpu.memory_space<vmem>> -> memref<1x128xi32, #tpu.memory_space<vmem>>
      %dma_wait3A_95 = tpu.memref_squeeze %dma_wait3A_94 : memref<1x128xi32, #tpu.memory_space<vmem>> -> memref<128xi32, #tpu.memory_space<vmem>>
      %dma_wait3A_96 = arith.constant 0 : i32
      %dma_wait3A_97 = arith.constant 0 : i32
      %dma_wait3A_98 = tpu.memref_slice %arg2[%dma_wait3A_96, %dma_wait3A_97] : memref<1000000x64xf32, #tpu.memory_space<hbm>> -> memref<1000000x64xf32, #tpu.memory_space<hbm>>
      tpu.wait_indirect_dma semaphore(%arg15 : memref<!tpu.dma_semaphore, #tpu.memory_space<semaphore_mem>>) src(%dma_wait3A_98 : memref<1000000x64xf32, #tpu.memory_space<hbm>>) dst(%arg7 : memref<128x64xf32, #tpu.memory_space<vmem>>)
      %gt3A_99 = arith.constant 0 : i32
      %gt3A_100 = arith.cmpi sgt, %scan3A_58, %gt3A_99 : i32
      %or3A_101 = arith.constant false
      %or3A_102 = arith.ori %gt3A_100, %or3A_101 : i1
      %convert_element_type3A_103 = arith.extui %or3A_102 : i1 to i32
      %cond3A_104 = arith.constant 0 : i32
      %cond3A_105 = arith.cmpi ne, %convert_element_type3A_103, %cond3A_104 : i32
      scf.if %cond3A_105 {
        %sub3A = arith.constant 4 : i32
        %sub3A_194 = arith.subi %add3A_92, %sub3A : i32
        %mul3A_195 = arith.constant 128 : i32
        %mul3A_196 = arith.muli %sub3A_194, %mul3A_195 : i32
        %add3A_197 = arith.addi %mul3A_2, %mul3A_196 : i32
        %dma_wait3A_198 = arith.constant 0 : i32
        %dma_wait3A_199 = tpu.memref_slice %arg4[%add3A_197, %dma_wait3A_198] : memref<819200x128xf32, #tpu.memory_space<hbm>> -> memref<128x64xf32, #tpu.memory_space<hbm>>
        %dma_wait3A_200 = arith.constant 0 : i32
        %dma_wait3A_201 = tpu.memref_slice %arg4[%add3A_197, %dma_wait3A_200] : memref<819200x128xf32, #tpu.memory_space<hbm>> -> memref<128x64xf32, #tpu.memory_space<hbm>>
        tpu.wait_dma2 semaphore(%arg19 : memref<!tpu.dma_semaphore, #tpu.memory_space<semaphore_mem>>) src(%arg11 : memref<128x64xf32, #tpu.memory_space<vmem>>) dst(%dma_wait3A_201 : memref<128x64xf32, #tpu.memory_space<hbm>>)
      } else {
      }
      %scan3A_106 = arith.constant 0 : i32
      %scan3A_107 = arith.constant 0 : i32
      %scan3A_108 = arith.constant 32 : i32
      %scan3A_109 = arith.addi %scan3A_107, %scan3A_108 : i32
      %scan3A_110 = arith.constant 1 : i32
      scf.for %scan3A_194 = %scan3A_107 to %scan3A_109 step %scan3A_110  : i32 {
        %mul3A_195 = arith.constant 4 : i32
        %mul3A_196 = arith.muli %scan3A_194, %mul3A_195 : i32
        %add3A_197 = arith.constant 0 : i32
        %add3A_198 = arith.addi %mul3A_196, %add3A_197 : i32
        %get3A = arith.index_cast %add3A_198 : i32 to index
        %get3A_199 = arith.constant 0 : index
        %get3A_200 = tpu.vector_load %arg7[%get3A, %get3A_199] {strides = array<i32>} : memref<128x64xf32, #tpu.memory_space<vmem>>, vector<1x16xf32>,
        %get3A_201 = vector.shape_cast %get3A_200 : vector<1x16xf32> to vector<16xf32>
        %mul3A_202 = arith.constant 8.000000e+00 : f32
        %mul3A_203 = vector.broadcast %mul3A_202 : f32 to vector<16xf32>
        %mul3A_204 = arith.mulf %get3A_201, %mul3A_203 : vector<16xf32>
        %swap3A = arith.index_cast %add3A_198 : i32 to index
        %swap3A_205 = arith.constant 0 : index
        %swap3A_206 = tpu.vector_load %arg11[%swap3A, %swap3A_205] {strides = array<i32>} : memref<128x64xf32, #tpu.memory_space<vmem>>, vector<1x16xf32>,
        %swap3A_207 = vector.shape_cast %swap3A_206 : vector<1x16xf32> to vector<16xf32>
        %swap3A_208 = vector.shape_cast %mul3A_204 : vector<16xf32> to vector<1x16xf32>
        tpu.vector_store %arg11[%swap3A, %swap3A_205], %swap3A_208 {strides = array<i32>} : memref<128x64xf32, #tpu.memory_space<vmem>>, vector<1x16xf32>,
        %get3A_209 = arith.index_cast %add3A_198 : i32 to index
        %get3A_210 = arith.constant 16 : index
        %get3A_211 = tpu.vector_load %arg7[%get3A_209, %get3A_210] {strides = array<i32>} : memref<128x64xf32, #tpu.memory_space<vmem>>, vector<1x16xf32>,
        %get3A_212 = vector.shape_cast %get3A_211 : vector<1x16xf32> to vector<16xf32>
        %mul3A_213 = arith.constant 8.000000e+00 : f32
        %mul3A_214 = vector.broadcast %mul3A_213 : f32 to vector<16xf32>
        %mul3A_215 = arith.mulf %get3A_212, %mul3A_214 : vector<16xf32>
        %swap3A_216 = arith.index_cast %add3A_198 : i32 to index
        %swap3A_217 = arith.constant 16 : index
        %swap3A_218 = tpu.vector_load %arg11[%swap3A_216, %swap3A_217] {strides = array<i32>} : memref<128x64xf32, #tpu.memory_space<vmem>>, vector<1x16xf32>,
        %swap3A_219 = vector.shape_cast %swap3A_218 : vector<1x16xf32> to vector<16xf32>
        %swap3A_220 = vector.shape_cast %mul3A_215 : vector<16xf32> to vector<1x16xf32>
        tpu.vector_store %arg11[%swap3A_216, %swap3A_217], %swap3A_220 {strides = array<i32>} : memref<128x64xf32, #tpu.memory_space<vmem>>, vector<1x16xf32>,
        %get3A_221 = arith.index_cast %add3A_198 : i32 to index
        %get3A_222 = arith.constant 32 : index
        %get3A_223 = tpu.vector_load %arg7[%get3A_221, %get3A_222] {strides = array<i32>} : memref<128x64xf32, #tpu.memory_space<vmem>>, vector<1x16xf32>,
        %get3A_224 = vector.shape_cast %get3A_223 : vector<1x16xf32> to vector<16xf32>
        %mul3A_225 = arith.constant 8.000000e+00 : f32
        %mul3A_226 = vector.broadcast %mul3A_225 : f32 to vector<16xf32>
        %mul3A_227 = arith.mulf %get3A_224, %mul3A_226 : vector<16xf32>
        %swap3A_228 = arith.index_cast %add3A_198 : i32 to index
        %swap3A_229 = arith.constant 32 : index
        %swap3A_230 = tpu.vector_load %arg11[%swap3A_228, %swap3A_229] {strides = array<i32>} : memref<128x64xf32, #tpu.memory_space<vmem>>, vector<1x16xf32>,
        %swap3A_231 = vector.shape_cast %swap3A_230 : vector<1x16xf32> to vector<16xf32>
        %swap3A_232 = vector.shape_cast %mul3A_227 : vector<16xf32> to vector<1x16xf32>
        tpu.vector_store %arg11[%swap3A_228, %swap3A_229], %swap3A_232 {strides = array<i32>} : memref<128x64xf32, #tpu.memory_space<vmem>>, vector<1x16xf32>,
        %get3A_233 = arith.index_cast %add3A_198 : i32 to index
        %get3A_234 = arith.constant 48 : index
        %get3A_235 = tpu.vector_load %arg7[%get3A_233, %get3A_234] {strides = array<i32>} : memref<128x64xf32, #tpu.memory_space<vmem>>, vector<1x16xf32>,
        %get3A_236 = vector.shape_cast %get3A_235 : vector<1x16xf32> to vector<16xf32>
        %mul3A_237 = arith.constant 8.000000e+00 : f32
        %mul3A_238 = vector.broadcast %mul3A_237 : f32 to vector<16xf32>
        %mul3A_239 = arith.mulf %get3A_236, %mul3A_238 : vector<16xf32>
        %swap3A_240 = arith.index_cast %add3A_198 : i32 to index
        %swap3A_241 = arith.constant 48 : index
        %swap3A_242 = tpu.vector_load %arg11[%swap3A_240, %swap3A_241] {strides = array<i32>} : memref<128x64xf32, #tpu.memory_space<vmem>>, vector<1x16xf32>,
        %swap3A_243 = vector.shape_cast %swap3A_242 : vector<1x16xf32> to vector<16xf32>
        %swap3A_244 = vector.shape_cast %mul3A_239 : vector<16xf32> to vector<1x16xf32>
        tpu.vector_store %arg11[%swap3A_240, %swap3A_241], %swap3A_244 {strides = array<i32>} : memref<128x64xf32, #tpu.memory_space<vmem>>, vector<1x16xf32>,
        %mul3A_245 = arith.constant 4 : i32
        %mul3A_246 = arith.muli %scan3A_194, %mul3A_245 : i32
        %add3A_247 = arith.constant 1 : i32
        %add3A_248 = arith.addi %mul3A_246, %add3A_247 : i32
        %get3A_249 = arith.index_cast %add3A_248 : i32 to index
        %get3A_250 = arith.constant 0 : index
        %get3A_251 = tpu.vector_load %arg7[%get3A_249, %get3A_250] {strides = array<i32>} : memref<128x64xf32, #tpu.memory_space<vmem>>, vector<1x16xf32>,
        %get3A_252 = vector.shape_cast %get3A_251 : vector<1x16xf32> to vector<16xf32>
        %mul3A_253 = arith.constant 8.000000e+00 : f32
        %mul3A_254 = vector.broadcast %mul3A_253 : f32 to vector<16xf32>
        %mul3A_255 = arith.mulf %get3A_252, %mul3A_254 : vector<16xf32>
        %swap3A_256 = arith.index_cast %add3A_248 : i32 to index
        %swap3A_257 = arith.constant 0 : index
        %swap3A_258 = tpu.vector_load %arg11[%swap3A_256, %swap3A_257] {strides = array<i32>} : memref<128x64xf32, #tpu.memory_space<vmem>>, vector<1x16xf32>,
        %swap3A_259 = vector.shape_cast %swap3A_258 : vector<1x16xf32> to vector<16xf32>
        %swap3A_260 = vector.shape_cast %mul3A_255 : vector<16xf32> to vector<1x16xf32>
        tpu.vector_store %arg11[%swap3A_256, %swap3A_257], %swap3A_260 {strides = array<i32>} : memref<128x64xf32, #tpu.memory_space<vmem>>, vector<1x16xf32>,
        %get3A_261 = arith.index_cast %add3A_248 : i32 to index
        %get3A_262 = arith.constant 16 : index
        %get3A_263 = tpu.vector_load %arg7[%get3A_261, %get3A_262] {strides = array<i32>} : memref<128x64xf32, #tpu.memory_space<vmem>>, vector<1x16xf32>,
        %get3A_264 = vector.shape_cast %get3A_263 : vector<1x16xf32> to vector<16xf32>
        %mul3A_265 = arith.constant 8.000000e+00 : f32
        %mul3A_266 = vector.broadcast %mul3A_265 : f32 to vector<16xf32>
        %mul3A_267 = arith.mulf %get3A_264, %mul3A_266 : vector<16xf32>
        %swap3A_268 = arith.index_cast %add3A_248 : i32 to index
        %swap3A_269 = arith.constant 16 : index
        %swap3A_270 = tpu.vector_load %arg11[%swap3A_268, %swap3A_269] {strides = array<i32>} : memref<128x64xf32, #tpu.memory_space<vmem>>, vector<1x16xf32>,
        %swap3A_271 = vector.shape_cast %swap3A_270 : vector<1x16xf32> to vector<16xf32>
        %swap3A_272 = vector.shape_cast %mul3A_267 : vector<16xf32> to vector<1x16xf32>
        tpu.vector_store %arg11[%swap3A_268, %swap3A_269], %swap3A_272 {strides = array<i32>} : memref<128x64xf32, #tpu.memory_space<vmem>>, vector<1x16xf32>,
        %get3A_273 = arith.index_cast %add3A_248 : i32 to index
        %get3A_274 = arith.constant 32 : index
        %get3A_275 = tpu.vector_load %arg7[%get3A_273, %get3A_274] {strides = array<i32>} : memref<128x64xf32, #tpu.memory_space<vmem>>, vector<1x16xf32>,
        %get3A_276 = vector.shape_cast %get3A_275 : vector<1x16xf32> to vector<16xf32>
        %mul3A_277 = arith.constant 8.000000e+00 : f32
        %mul3A_278 = vector.broadcast %mul3A_277 : f32 to vector<16xf32>
        %mul3A_279 = arith.mulf %get3A_276, %mul3A_278 : vector<16xf32>
        %swap3A_280 = arith.index_cast %add3A_248 : i32 to index
        %swap3A_281 = arith.constant 32 : index
        %swap3A_282 = tpu.vector_load %arg11[%swap3A_280, %swap3A_281] {strides = array<i32>} : memref<128x64xf32, #tpu.memory_space<vmem>>, vector<1x16xf32>,
        %swap3A_283 = vector.shape_cast %swap3A_282 : vector<1x16xf32> to vector<16xf32>
        %swap3A_284 = vector.shape_cast %mul3A_279 : vector<16xf32> to vector<1x16xf32>
        tpu.vector_store %arg11[%swap3A_280, %swap3A_281], %swap3A_284 {strides = array<i32>} : memref<128x64xf32, #tpu.memory_space<vmem>>, vector<1x16xf32>,
        %get3A_285 = arith.index_cast %add3A_248 : i32 to index
        %get3A_286 = arith.constant 48 : index
        %get3A_287 = tpu.vector_load %arg7[%get3A_285, %get3A_286] {strides = array<i32>} : memref<128x64xf32, #tpu.memory_space<vmem>>, vector<1x16xf32>,
        %get3A_288 = vector.shape_cast %get3A_287 : vector<1x16xf32> to vector<16xf32>
        %mul3A_289 = arith.constant 8.000000e+00 : f32
        %mul3A_290 = vector.broadcast %mul3A_289 : f32 to vector<16xf32>
        %mul3A_291 = arith.mulf %get3A_288, %mul3A_290 : vector<16xf32>
        %swap3A_292 = arith.index_cast %add3A_248 : i32 to index
        %swap3A_293 = arith.constant 48 : index
        %swap3A_294 = tpu.vector_load %arg11[%swap3A_292, %swap3A_293] {strides = array<i32>} : memref<128x64xf32, #tpu.memory_space<vmem>>, vector<1x16xf32>,
        %swap3A_295 = vector.shape_cast %swap3A_294 : vector<1x16xf32> to vector<16xf32>
        %swap3A_296 = vector.shape_cast %mul3A_291 : vector<16xf32> to vector<1x16xf32>
        tpu.vector_store %arg11[%swap3A_292, %swap3A_293], %swap3A_296 {strides = array<i32>} : memref<128x64xf32, #tpu.memory_space<vmem>>, vector<1x16xf32>,
        %mul3A_297 = arith.constant 4 : i32
        %mul3A_298 = arith.muli %scan3A_194, %mul3A_297 : i32
        %add3A_299 = arith.constant 2 : i32
        %add3A_300 = arith.addi %mul3A_298, %add3A_299 : i32
        %get3A_301 = arith.index_cast %add3A_300 : i32 to index
        %get3A_302 = arith.constant 0 : index
        %get3A_303 = tpu.vector_load %arg7[%get3A_301, %get3A_302] {strides = array<i32>} : memref<128x64xf32, #tpu.memory_space<vmem>>, vector<1x16xf32>,
        %get3A_304 = vector.shape_cast %get3A_303 : vector<1x16xf32> to vector<16xf32>
        %mul3A_305 = arith.constant 8.000000e+00 : f32
        %mul3A_306 = vector.broadcast %mul3A_305 : f32 to vector<16xf32>
        %mul3A_307 = arith.mulf %get3A_304, %mul3A_306 : vector<16xf32>
        %swap3A_308 = arith.index_cast %add3A_300 : i32 to index
        %swap3A_309 = arith.constant 0 : index
        %swap3A_310 = tpu.vector_load %arg11[%swap3A_308, %swap3A_309] {strides = array<i32>} : memref<128x64xf32, #tpu.memory_space<vmem>>, vector<1x16xf32>,
        %swap3A_311 = vector.shape_cast %swap3A_310 : vector<1x16xf32> to vector<16xf32>
        %swap3A_312 = vector.shape_cast %mul3A_307 : vector<16xf32> to vector<1x16xf32>
        tpu.vector_store %arg11[%swap3A_308, %swap3A_309], %swap3A_312 {strides = array<i32>} : memref<128x64xf32, #tpu.memory_space<vmem>>, vector<1x16xf32>,
        %get3A_313 = arith.index_cast %add3A_300 : i32 to index
        %get3A_314 = arith.constant 16 : index
        %get3A_315 = tpu.vector_load %arg7[%get3A_313, %get3A_314] {strides = array<i32>} : memref<128x64xf32, #tpu.memory_space<vmem>>, vector<1x16xf32>,
        %get3A_316 = vector.shape_cast %get3A_315 : vector<1x16xf32> to vector<16xf32>
        %mul3A_317 = arith.constant 8.000000e+00 : f32
        %mul3A_318 = vector.broadcast %mul3A_317 : f32 to vector<16xf32>
        %mul3A_319 = arith.mulf %get3A_316, %mul3A_318 : vector<16xf32>
        %swap3A_320 = arith.index_cast %add3A_300 : i32 to index
        %swap3A_321 = arith.constant 16 : index
        %swap3A_322 = tpu.vector_load %arg11[%swap3A_320, %swap3A_321] {strides = array<i32>} : memref<128x64xf32, #tpu.memory_space<vmem>>, vector<1x16xf32>,
        %swap3A_323 = vector.shape_cast %swap3A_322 : vector<1x16xf32> to vector<16xf32>
        %swap3A_324 = vector.shape_cast %mul3A_319 : vector<16xf32> to vector<1x16xf32>
        tpu.vector_store %arg11[%swap3A_320, %swap3A_321], %swap3A_324 {strides = array<i32>} : memref<128x64xf32, #tpu.memory_space<vmem>>, vector<1x16xf32>,
        %get3A_325 = arith.index_cast %add3A_300 : i32 to index
        %get3A_326 = arith.constant 32 : index
        %get3A_327 = tpu.vector_load %arg7[%get3A_325, %get3A_326] {strides = array<i32>} : memref<128x64xf32, #tpu.memory_space<vmem>>, vector<1x16xf32>,
        %get3A_328 = vector.shape_cast %get3A_327 : vector<1x16xf32> to vector<16xf32>
        %mul3A_329 = arith.constant 8.000000e+00 : f32
        %mul3A_330 = vector.broadcast %mul3A_329 : f32 to vector<16xf32>
        %mul3A_331 = arith.mulf %get3A_328, %mul3A_330 : vector<16xf32>
        %swap3A_332 = arith.index_cast %add3A_300 : i32 to index
        %swap3A_333 = arith.constant 32 : index
        %swap3A_334 = tpu.vector_load %arg11[%swap3A_332, %swap3A_333] {strides = array<i32>} : memref<128x64xf32, #tpu.memory_space<vmem>>, vector<1x16xf32>,
        %swap3A_335 = vector.shape_cast %swap3A_334 : vector<1x16xf32> to vector<16xf32>
        %swap3A_336 = vector.shape_cast %mul3A_331 : vector<16xf32> to vector<1x16xf32>
        tpu.vector_store %arg11[%swap3A_332, %swap3A_333], %swap3A_336 {strides = array<i32>} : memref<128x64xf32, #tpu.memory_space<vmem>>, vector<1x16xf32>,
        %get3A_337 = arith.index_cast %add3A_300 : i32 to index
        %get3A_338 = arith.constant 48 : index
        %get3A_339 = tpu.vector_load %arg7[%get3A_337, %get3A_338] {strides = array<i32>} : memref<128x64xf32, #tpu.memory_space<vmem>>, vector<1x16xf32>,
        %get3A_340 = vector.shape_cast %get3A_339 : vector<1x16xf32> to vector<16xf32>
        %mul3A_341 = arith.constant 8.000000e+00 : f32
        %mul3A_342 = vector.broadcast %mul3A_341 : f32 to vector<16xf32>
        %mul3A_343 = arith.mulf %get3A_340, %mul3A_342 : vector<16xf32>
        %swap3A_344 = arith.index_cast %add3A_300 : i32 to index
        %swap3A_345 = arith.constant 48 : index
        %swap3A_346 = tpu.vector_load %arg11[%swap3A_344, %swap3A_345] {strides = array<i32>} : memref<128x64xf32, #tpu.memory_space<vmem>>, vector<1x16xf32>,
        %swap3A_347 = vector.shape_cast %swap3A_346 : vector<1x16xf32> to vector<16xf32>
        %swap3A_348 = vector.shape_cast %mul3A_343 : vector<16xf32> to vector<1x16xf32>
        tpu.vector_store %arg11[%swap3A_344, %swap3A_345], %swap3A_348 {strides = array<i32>} : memref<128x64xf32, #tpu.memory_space<vmem>>, vector<1x16xf32>,
        %mul3A_349 = arith.constant 4 : i32
        %mul3A_350 = arith.muli %scan3A_194, %mul3A_349 : i32
        %add3A_351 = arith.constant 3 : i32
        %add3A_352 = arith.addi %mul3A_350, %add3A_351 : i32
        %get3A_353 = arith.index_cast %add3A_352 : i32 to index
        %get3A_354 = arith.constant 0 : index
        %get3A_355 = tpu.vector_load %arg7[%get3A_353, %get3A_354] {strides = array<i32>} : memref<128x64xf32, #tpu.memory_space<vmem>>, vector<1x16xf32>,
        %get3A_356 = vector.shape_cast %get3A_355 : vector<1x16xf32> to vector<16xf32>
        %mul3A_357 = arith.constant 8.000000e+00 : f32
        %mul3A_358 = vector.broadcast %mul3A_357 : f32 to vector<16xf32>
        %mul3A_359 = arith.mulf %get3A_356, %mul3A_358 : vector<16xf32>
        %swap3A_360 = arith.index_cast %add3A_352 : i32 to index
        %swap3A_361 = arith.constant 0 : index
        %swap3A_362 = tpu.vector_load %arg11[%swap3A_360, %swap3A_361] {strides = array<i32>} : memref<128x64xf32, #tpu.memory_space<vmem>>, vector<1x16xf32>,
        %swap3A_363 = vector.shape_cast %swap3A_362 : vector<1x16xf32> to vector<16xf32>
        %swap3A_364 = vector.shape_cast %mul3A_359 : vector<16xf32> to vector<1x16xf32>
        tpu.vector_store %arg11[%swap3A_360, %swap3A_361], %swap3A_364 {strides = array<i32>} : memref<128x64xf32, #tpu.memory_space<vmem>>, vector<1x16xf32>,
        %get3A_365 = arith.index_cast %add3A_352 : i32 to index
        %get3A_366 = arith.constant 16 : index
        %get3A_367 = tpu.vector_load %arg7[%get3A_365, %get3A_366] {strides = array<i32>} : memref<128x64xf32, #tpu.memory_space<vmem>>, vector<1x16xf32>,
        %get3A_368 = vector.shape_cast %get3A_367 : vector<1x16xf32> to vector<16xf32>
        %mul3A_369 = arith.constant 8.000000e+00 : f32
        %mul3A_370 = vector.broadcast %mul3A_369 : f32 to vector<16xf32>
        %mul3A_371 = arith.mulf %get3A_368, %mul3A_370 : vector<16xf32>
        %swap3A_372 = arith.index_cast %add3A_352 : i32 to index
        %swap3A_373 = arith.constant 16 : index
        %swap3A_374 = tpu.vector_load %arg11[%swap3A_372, %swap3A_373] {strides = array<i32>} : memref<128x64xf32, #tpu.memory_space<vmem>>, vector<1x16xf32>,
        %swap3A_375 = vector.shape_cast %swap3A_374 : vector<1x16xf32> to vector<16xf32>
        %swap3A_376 = vector.shape_cast %mul3A_371 : vector<16xf32> to vector<1x16xf32>
        tpu.vector_store %arg11[%swap3A_372, %swap3A_373], %swap3A_376 {strides = array<i32>} : memref<128x64xf32, #tpu.memory_space<vmem>>, vector<1x16xf32>,
        %get3A_377 = arith.index_cast %add3A_352 : i32 to index
        %get3A_378 = arith.constant 32 : index
        %get3A_379 = tpu.vector_load %arg7[%get3A_377, %get3A_378] {strides = array<i32>} : memref<128x64xf32, #tpu.memory_space<vmem>>, vector<1x16xf32>,
        %get3A_380 = vector.shape_cast %get3A_379 : vector<1x16xf32> to vector<16xf32>
        %mul3A_381 = arith.constant 8.000000e+00 : f32
        %mul3A_382 = vector.broadcast %mul3A_381 : f32 to vector<16xf32>
        %mul3A_383 = arith.mulf %get3A_380, %mul3A_382 : vector<16xf32>
        %swap3A_384 = arith.index_cast %add3A_352 : i32 to index
        %swap3A_385 = arith.constant 32 : index
        %swap3A_386 = tpu.vector_load %arg11[%swap3A_384, %swap3A_385] {strides = array<i32>} : memref<128x64xf32, #tpu.memory_space<vmem>>, vector<1x16xf32>,
        %swap3A_387 = vector.shape_cast %swap3A_386 : vector<1x16xf32> to vector<16xf32>
        %swap3A_388 = vector.shape_cast %mul3A_383 : vector<16xf32> to vector<1x16xf32>
        tpu.vector_store %arg11[%swap3A_384, %swap3A_385], %swap3A_388 {strides = array<i32>} : memref<128x64xf32, #tpu.memory_space<vmem>>, vector<1x16xf32>,
        %get3A_389 = arith.index_cast %add3A_352 : i32 to index
        %get3A_390 = arith.constant 48 : index
        %get3A_391 = tpu.vector_load %arg7[%get3A_389, %get3A_390] {strides = array<i32>} : memref<128x64xf32, #tpu.memory_space<vmem>>, vector<1x16xf32>,
        %get3A_392 = vector.shape_cast %get3A_391 : vector<1x16xf32> to vector<16xf32>
        %mul3A_393 = arith.constant 8.000000e+00 : f32
        %mul3A_394 = vector.broadcast %mul3A_393 : f32 to vector<16xf32>
        %mul3A_395 = arith.mulf %get3A_392, %mul3A_394 : vector<16xf32>
        %swap3A_396 = arith.index_cast %add3A_352 : i32 to index
        %swap3A_397 = arith.constant 48 : index
        %swap3A_398 = tpu.vector_load %arg11[%swap3A_396, %swap3A_397] {strides = array<i32>} : memref<128x64xf32, #tpu.memory_space<vmem>>, vector<1x16xf32>,
        %swap3A_399 = vector.shape_cast %swap3A_398 : vector<1x16xf32> to vector<16xf32>
        %swap3A_400 = vector.shape_cast %mul3A_395 : vector<16xf32> to vector<1x16xf32>
        tpu.vector_store %arg11[%swap3A_396, %swap3A_397], %swap3A_400 {strides = array<i32>} : memref<128x64xf32, #tpu.memory_space<vmem>>, vector<1x16xf32>,
      }
      %scan3A_111 = arith.constant 32 : i32
      %lt3A_112 = arith.constant 49 : i32
      %lt3A_113 = arith.cmpi slt, %scan3A_58, %lt3A_112 : i32
      %convert_element_type3A_114 = arith.extui %lt3A_113 : i1 to i32
      %cond3A_115 = arith.constant 0 : i32
      %cond3A_116 = arith.cmpi ne, %convert_element_type3A_114, %cond3A_115 : i32
      scf.if %cond3A_116 {
        %add3A_194 = arith.constant 4 : i32
        %add3A_195 = arith.addi %add3A_92, %add3A_194 : i32
        %dma_start3A_196 = arith.constant 0 : i32
        %dma_start3A_197 = tpu.memref_slice %arg5[%add3A_195, %dma_start3A_196] : memref<200x128xi32, #tpu.memory_space<vmem>> -> memref<1x128xi32, #tpu.memory_space<vmem>>
        %dma_start3A_198 = tpu.memref_squeeze %dma_start3A_197 : memref<1x128xi32, #tpu.memory_space<vmem>> -> memref<128xi32, #tpu.memory_space<vmem>>
        %dma_start3A_199 = arith.constant 0 : i32
        %dma_start3A_200 = arith.constant 0 : i32
        %dma_start3A_201 = tpu.memref_slice %arg2[%dma_start3A_199, %dma_start3A_200] : memref<1000000x64xf32, #tpu.memory_space<hbm>> -> memref<1000000x64xf32, #tpu.memory_space<hbm>>
        tpu.enqueue_indirect_dma source(%dma_start3A_201 : memref<1000000x64xf32, #tpu.memory_space<hbm>>) target(%arg7 : memref<128x64xf32, #tpu.memory_space<vmem>>) offsets(%dma_start3A_198 : memref<128xi32, #tpu.memory_space<vmem>>) semaphore(%arg15 : memref<!tpu.dma_semaphore, #tpu.memory_space<semaphore_mem>>)
      } else {
      }
      %mul3A_117 = arith.constant 128 : i32
      %mul3A_118 = arith.muli %add3A_92, %mul3A_117 : i32
      %add3A_119 = arith.addi %mul3A_2, %mul3A_118 : i32
      %dma_start3A_120 = arith.constant 0 : i32
      %dma_start3A_121 = tpu.memref_slice %arg4[%add3A_119, %dma_start3A_120] : memref<819200x128xf32, #tpu.memory_space<hbm>> -> memref<128x64xf32, #tpu.memory_space<hbm>>
      %dma_start3A_122 = arith.constant 0 : i32
      %dma_start3A_123 = tpu.memref_slice %arg4[%add3A_119, %dma_start3A_122] : memref<819200x128xf32, #tpu.memory_space<hbm>> -> memref<128x64xf32, #tpu.memory_space<hbm>>
      tpu.enqueue_dma source(%arg11 : memref<128x64xf32, #tpu.memory_space<vmem>>) target(%dma_start3A_123 : memref<128x64xf32, #tpu.memory_space<hbm>>) target_semaphore(%arg19 : memref<!tpu.dma_semaphore, #tpu.memory_space<semaphore_mem>>)
      %mul3A_124 = arith.constant 4 : i32
      %mul3A_125 = arith.muli %scan3A_58, %mul3A_124 : i32
      %add3A_126 = arith.constant 2 : i32
      %add3A_127 = arith.addi %mul3A_125, %add3A_126 : i32
      %dma_wait3A_128 = arith.constant 0 : i32
      %dma_wait3A_129 = tpu.memref_slice %arg5[%add3A_127, %dma_wait3A_128] : memref<200x128xi32, #tpu.memory_space<vmem>> -> memref<1x128xi32, #tpu.memory_space<vmem>>
      %dma_wait3A_130 = tpu.memref_squeeze %dma_wait3A_129 : memref<1x128xi32, #tpu.memory_space<vmem>> -> memref<128xi32, #tpu.memory_space<vmem>>
      %dma_wait3A_131 = arith.constant 0 : i32
      %dma_wait3A_132 = arith.constant 0 : i32
      %dma_wait3A_133 = tpu.memref_slice %arg2[%dma_wait3A_131, %dma_wait3A_132] : memref<1000000x64xf32, #tpu.memory_space<hbm>> -> memref<1000000x64xf32, #tpu.memory_space<hbm>>
      tpu.wait_indirect_dma semaphore(%arg16 : memref<!tpu.dma_semaphore, #tpu.memory_space<semaphore_mem>>) src(%dma_wait3A_133 : memref<1000000x64xf32, #tpu.memory_space<hbm>>) dst(%arg8 : memref<128x64xf32, #tpu.memory_space<vmem>>)
      %gt3A_134 = arith.constant 0 : i32
      %gt3A_135 = arith.cmpi sgt, %scan3A_58, %gt3A_134 : i32
      %or3A_136 = arith.constant false
      %or3A_137 = arith.ori %gt3A_135, %or3A_136 : i1
      %convert_element_type3A_138 = arith.extui %or3A_137 : i1 to i32
      %cond3A_139 = arith.constant 0 : i32
      %cond3A_140 = arith.cmpi ne, %convert_element_type3A_138, %cond3A_139 : i32
      scf.if %cond3A_140 {
        %sub3A = arith.constant 4 : i32
        %sub3A_194 = arith.subi %add3A_127, %sub3A : i32
        %mul3A_195 = arith.constant 128 : i32
        %mul3A_196 = arith.muli %sub3A_194, %mul3A_195 : i32
        %add3A_197 = arith.addi %mul3A_2, %mul3A_196 : i32
        %dma_wait3A_198 = arith.constant 0 : i32
        %dma_wait3A_199 = tpu.memref_slice %arg4[%add3A_197, %dma_wait3A_198] : memref<819200x128xf32, #tpu.memory_space<hbm>> -> memref<128x64xf32, #tpu.memory_space<hbm>>
        %dma_wait3A_200 = arith.constant 0 : i32
        %dma_wait3A_201 = tpu.memref_slice %arg4[%add3A_197, %dma_wait3A_200] : memref<819200x128xf32, #tpu.memory_space<hbm>> -> memref<128x64xf32, #tpu.memory_space<hbm>>
        tpu.wait_dma2 semaphore(%arg20 : memref<!tpu.dma_semaphore, #tpu.memory_space<semaphore_mem>>) src(%arg12 : memref<128x64xf32, #tpu.memory_space<vmem>>) dst(%dma_wait3A_201 : memref<128x64xf32, #tpu.memory_space<hbm>>)
      } else {
      }
      %scan3A_141 = arith.constant 0 : i32
      %scan3A_142 = arith.constant 0 : i32
      %scan3A_143 = arith.constant 32 : i32
      %scan3A_144 = arith.addi %scan3A_142, %scan3A_143 : i32
      %scan3A_145 = arith.constant 1 : i32
      scf.for %scan3A_194 = %scan3A_142 to %scan3A_144 step %scan3A_145  : i32 {
        %mul3A_195 = arith.constant 4 : i32
        %mul3A_196 = arith.muli %scan3A_194, %mul3A_195 : i32
        %add3A_197 = arith.constant 0 : i32
        %add3A_198 = arith.addi %mul3A_196, %add3A_197 : i32
        %get3A = arith.index_cast %add3A_198 : i32 to index
        %get3A_199 = arith.constant 0 : index
        %get3A_200 = tpu.vector_load %arg8[%get3A, %get3A_199] {strides = array<i32>} : memref<128x64xf32, #tpu.memory_space<vmem>>, vector<1x16xf32>,
        %get3A_201 = vector.shape_cast %get3A_200 : vector<1x16xf32> to vector<16xf32>
        %mul3A_202 = arith.constant 8.000000e+00 : f32
        %mul3A_203 = vector.broadcast %mul3A_202 : f32 to vector<16xf32>
        %mul3A_204 = arith.mulf %get3A_201, %mul3A_203 : vector<16xf32>
        %swap3A = arith.index_cast %add3A_198 : i32 to index
        %swap3A_205 = arith.constant 0 : index
        %swap3A_206 = tpu.vector_load %arg12[%swap3A, %swap3A_205] {strides = array<i32>} : memref<128x64xf32, #tpu.memory_space<vmem>>, vector<1x16xf32>,
        %swap3A_207 = vector.shape_cast %swap3A_206 : vector<1x16xf32> to vector<16xf32>
        %swap3A_208 = vector.shape_cast %mul3A_204 : vector<16xf32> to vector<1x16xf32>
        tpu.vector_store %arg12[%swap3A, %swap3A_205], %swap3A_208 {strides = array<i32>} : memref<128x64xf32, #tpu.memory_space<vmem>>, vector<1x16xf32>,
        %get3A_209 = arith.index_cast %add3A_198 : i32 to index
        %get3A_210 = arith.constant 16 : index
        %get3A_211 = tpu.vector_load %arg8[%get3A_209, %get3A_210] {strides = array<i32>} : memref<128x64xf32, #tpu.memory_space<vmem>>, vector<1x16xf32>,
        %get3A_212 = vector.shape_cast %get3A_211 : vector<1x16xf32> to vector<16xf32>
        %mul3A_213 = arith.constant 8.000000e+00 : f32
        %mul3A_214 = vector.broadcast %mul3A_213 : f32 to vector<16xf32>
        %mul3A_215 = arith.mulf %get3A_212, %mul3A_214 : vector<16xf32>
        %swap3A_216 = arith.index_cast %add3A_198 : i32 to index
        %swap3A_217 = arith.constant 16 : index
        %swap3A_218 = tpu.vector_load %arg12[%swap3A_216, %swap3A_217] {strides = array<i32>} : memref<128x64xf32, #tpu.memory_space<vmem>>, vector<1x16xf32>,
        %swap3A_219 = vector.shape_cast %swap3A_218 : vector<1x16xf32> to vector<16xf32>
        %swap3A_220 = vector.shape_cast %mul3A_215 : vector<16xf32> to vector<1x16xf32>
        tpu.vector_store %arg12[%swap3A_216, %swap3A_217], %swap3A_220 {strides = array<i32>} : memref<128x64xf32, #tpu.memory_space<vmem>>, vector<1x16xf32>,
        %get3A_221 = arith.index_cast %add3A_198 : i32 to index
        %get3A_222 = arith.constant 32 : index
        %get3A_223 = tpu.vector_load %arg8[%get3A_221, %get3A_222] {strides = array<i32>} : memref<128x64xf32, #tpu.memory_space<vmem>>, vector<1x16xf32>,
        %get3A_224 = vector.shape_cast %get3A_223 : vector<1x16xf32> to vector<16xf32>
        %mul3A_225 = arith.constant 8.000000e+00 : f32
        %mul3A_226 = vector.broadcast %mul3A_225 : f32 to vector<16xf32>
        %mul3A_227 = arith.mulf %get3A_224, %mul3A_226 : vector<16xf32>
        %swap3A_228 = arith.index_cast %add3A_198 : i32 to index
        %swap3A_229 = arith.constant 32 : index
        %swap3A_230 = tpu.vector_load %arg12[%swap3A_228, %swap3A_229] {strides = array<i32>} : memref<128x64xf32, #tpu.memory_space<vmem>>, vector<1x16xf32>,
        %swap3A_231 = vector.shape_cast %swap3A_230 : vector<1x16xf32> to vector<16xf32>
        %swap3A_232 = vector.shape_cast %mul3A_227 : vector<16xf32> to vector<1x16xf32>
        tpu.vector_store %arg12[%swap3A_228, %swap3A_229], %swap3A_232 {strides = array<i32>} : memref<128x64xf32, #tpu.memory_space<vmem>>, vector<1x16xf32>,
        %get3A_233 = arith.index_cast %add3A_198 : i32 to index
        %get3A_234 = arith.constant 48 : index
        %get3A_235 = tpu.vector_load %arg8[%get3A_233, %get3A_234] {strides = array<i32>} : memref<128x64xf32, #tpu.memory_space<vmem>>, vector<1x16xf32>,
        %get3A_236 = vector.shape_cast %get3A_235 : vector<1x16xf32> to vector<16xf32>
        %mul3A_237 = arith.constant 8.000000e+00 : f32
        %mul3A_238 = vector.broadcast %mul3A_237 : f32 to vector<16xf32>
        %mul3A_239 = arith.mulf %get3A_236, %mul3A_238 : vector<16xf32>
        %swap3A_240 = arith.index_cast %add3A_198 : i32 to index
        %swap3A_241 = arith.constant 48 : index
        %swap3A_242 = tpu.vector_load %arg12[%swap3A_240, %swap3A_241] {strides = array<i32>} : memref<128x64xf32, #tpu.memory_space<vmem>>, vector<1x16xf32>,
        %swap3A_243 = vector.shape_cast %swap3A_242 : vector<1x16xf32> to vector<16xf32>
        %swap3A_244 = vector.shape_cast %mul3A_239 : vector<16xf32> to vector<1x16xf32>
        tpu.vector_store %arg12[%swap3A_240, %swap3A_241], %swap3A_244 {strides = array<i32>} : memref<128x64xf32, #tpu.memory_space<vmem>>, vector<1x16xf32>,
        %mul3A_245 = arith.constant 4 : i32
        %mul3A_246 = arith.muli %scan3A_194, %mul3A_245 : i32
        %add3A_247 = arith.constant 1 : i32
        %add3A_248 = arith.addi %mul3A_246, %add3A_247 : i32
        %get3A_249 = arith.index_cast %add3A_248 : i32 to index
        %get3A_250 = arith.constant 0 : index
        %get3A_251 = tpu.vector_load %arg8[%get3A_249, %get3A_250] {strides = array<i32>} : memref<128x64xf32, #tpu.memory_space<vmem>>, vector<1x16xf32>,
        %get3A_252 = vector.shape_cast %get3A_251 : vector<1x16xf32> to vector<16xf32>
        %mul3A_253 = arith.constant 8.000000e+00 : f32
        %mul3A_254 = vector.broadcast %mul3A_253 : f32 to vector<16xf32>
        %mul3A_255 = arith.mulf %get3A_252, %mul3A_254 : vector<16xf32>
        %swap3A_256 = arith.index_cast %add3A_248 : i32 to index
        %swap3A_257 = arith.constant 0 : index
        %swap3A_258 = tpu.vector_load %arg12[%swap3A_256, %swap3A_257] {strides = array<i32>} : memref<128x64xf32, #tpu.memory_space<vmem>>, vector<1x16xf32>,
        %swap3A_259 = vector.shape_cast %swap3A_258 : vector<1x16xf32> to vector<16xf32>
        %swap3A_260 = vector.shape_cast %mul3A_255 : vector<16xf32> to vector<1x16xf32>
        tpu.vector_store %arg12[%swap3A_256, %swap3A_257], %swap3A_260 {strides = array<i32>} : memref<128x64xf32, #tpu.memory_space<vmem>>, vector<1x16xf32>,
        %get3A_261 = arith.index_cast %add3A_248 : i32 to index
        %get3A_262 = arith.constant 16 : index
        %get3A_263 = tpu.vector_load %arg8[%get3A_261, %get3A_262] {strides = array<i32>} : memref<128x64xf32, #tpu.memory_space<vmem>>, vector<1x16xf32>,
        %get3A_264 = vector.shape_cast %get3A_263 : vector<1x16xf32> to vector<16xf32>
        %mul3A_265 = arith.constant 8.000000e+00 : f32
        %mul3A_266 = vector.broadcast %mul3A_265 : f32 to vector<16xf32>
        %mul3A_267 = arith.mulf %get3A_264, %mul3A_266 : vector<16xf32>
        %swap3A_268 = arith.index_cast %add3A_248 : i32 to index
        %swap3A_269 = arith.constant 16 : index
        %swap3A_270 = tpu.vector_load %arg12[%swap3A_268, %swap3A_269] {strides = array<i32>} : memref<128x64xf32, #tpu.memory_space<vmem>>, vector<1x16xf32>,
        %swap3A_271 = vector.shape_cast %swap3A_270 : vector<1x16xf32> to vector<16xf32>
        %swap3A_272 = vector.shape_cast %mul3A_267 : vector<16xf32> to vector<1x16xf32>
        tpu.vector_store %arg12[%swap3A_268, %swap3A_269], %swap3A_272 {strides = array<i32>} : memref<128x64xf32, #tpu.memory_space<vmem>>, vector<1x16xf32>,
        %get3A_273 = arith.index_cast %add3A_248 : i32 to index
        %get3A_274 = arith.constant 32 : index
        %get3A_275 = tpu.vector_load %arg8[%get3A_273, %get3A_274] {strides = array<i32>} : memref<128x64xf32, #tpu.memory_space<vmem>>, vector<1x16xf32>,
        %get3A_276 = vector.shape_cast %get3A_275 : vector<1x16xf32> to vector<16xf32>
        %mul3A_277 = arith.constant 8.000000e+00 : f32
        %mul3A_278 = vector.broadcast %mul3A_277 : f32 to vector<16xf32>
        %mul3A_279 = arith.mulf %get3A_276, %mul3A_278 : vector<16xf32>
        %swap3A_280 = arith.index_cast %add3A_248 : i32 to index
        %swap3A_281 = arith.constant 32 : index
        %swap3A_282 = tpu.vector_load %arg12[%swap3A_280, %swap3A_281] {strides = array<i32>} : memref<128x64xf32, #tpu.memory_space<vmem>>, vector<1x16xf32>,
        %swap3A_283 = vector.shape_cast %swap3A_282 : vector<1x16xf32> to vector<16xf32>
        %swap3A_284 = vector.shape_cast %mul3A_279 : vector<16xf32> to vector<1x16xf32>
        tpu.vector_store %arg12[%swap3A_280, %swap3A_281], %swap3A_284 {strides = array<i32>} : memref<128x64xf32, #tpu.memory_space<vmem>>, vector<1x16xf32>,
        %get3A_285 = arith.index_cast %add3A_248 : i32 to index
        %get3A_286 = arith.constant 48 : index
        %get3A_287 = tpu.vector_load %arg8[%get3A_285, %get3A_286] {strides = array<i32>} : memref<128x64xf32, #tpu.memory_space<vmem>>, vector<1x16xf32>,
        %get3A_288 = vector.shape_cast %get3A_287 : vector<1x16xf32> to vector<16xf32>
        %mul3A_289 = arith.constant 8.000000e+00 : f32
        %mul3A_290 = vector.broadcast %mul3A_289 : f32 to vector<16xf32>
        %mul3A_291 = arith.mulf %get3A_288, %mul3A_290 : vector<16xf32>
        %swap3A_292 = arith.index_cast %add3A_248 : i32 to index
        %swap3A_293 = arith.constant 48 : index
        %swap3A_294 = tpu.vector_load %arg12[%swap3A_292, %swap3A_293] {strides = array<i32>} : memref<128x64xf32, #tpu.memory_space<vmem>>, vector<1x16xf32>,
        %swap3A_295 = vector.shape_cast %swap3A_294 : vector<1x16xf32> to vector<16xf32>
        %swap3A_296 = vector.shape_cast %mul3A_291 : vector<16xf32> to vector<1x16xf32>
        tpu.vector_store %arg12[%swap3A_292, %swap3A_293], %swap3A_296 {strides = array<i32>} : memref<128x64xf32, #tpu.memory_space<vmem>>, vector<1x16xf32>,
        %mul3A_297 = arith.constant 4 : i32
        %mul3A_298 = arith.muli %scan3A_194, %mul3A_297 : i32
        %add3A_299 = arith.constant 2 : i32
        %add3A_300 = arith.addi %mul3A_298, %add3A_299 : i32
        %get3A_301 = arith.index_cast %add3A_300 : i32 to index
        %get3A_302 = arith.constant 0 : index
        %get3A_303 = tpu.vector_load %arg8[%get3A_301, %get3A_302] {strides = array<i32>} : memref<128x64xf32, #tpu.memory_space<vmem>>, vector<1x16xf32>,
        %get3A_304 = vector.shape_cast %get3A_303 : vector<1x16xf32> to vector<16xf32>
        %mul3A_305 = arith.constant 8.000000e+00 : f32
        %mul3A_306 = vector.broadcast %mul3A_305 : f32 to vector<16xf32>
        %mul3A_307 = arith.mulf %get3A_304, %mul3A_306 : vector<16xf32>
        %swap3A_308 = arith.index_cast %add3A_300 : i32 to index
        %swap3A_309 = arith.constant 0 : index
        %swap3A_310 = tpu.vector_load %arg12[%swap3A_308, %swap3A_309] {strides = array<i32>} : memref<128x64xf32, #tpu.memory_space<vmem>>, vector<1x16xf32>,
        %swap3A_311 = vector.shape_cast %swap3A_310 : vector<1x16xf32> to vector<16xf32>
        %swap3A_312 = vector.shape_cast %mul3A_307 : vector<16xf32> to vector<1x16xf32>
        tpu.vector_store %arg12[%swap3A_308, %swap3A_309], %swap3A_312 {strides = array<i32>} : memref<128x64xf32, #tpu.memory_space<vmem>>, vector<1x16xf32>,
        %get3A_313 = arith.index_cast %add3A_300 : i32 to index
        %get3A_314 = arith.constant 16 : index
        %get3A_315 = tpu.vector_load %arg8[%get3A_313, %get3A_314] {strides = array<i32>} : memref<128x64xf32, #tpu.memory_space<vmem>>, vector<1x16xf32>,
        %get3A_316 = vector.shape_cast %get3A_315 : vector<1x16xf32> to vector<16xf32>
        %mul3A_317 = arith.constant 8.000000e+00 : f32
        %mul3A_318 = vector.broadcast %mul3A_317 : f32 to vector<16xf32>
        %mul3A_319 = arith.mulf %get3A_316, %mul3A_318 : vector<16xf32>
        %swap3A_320 = arith.index_cast %add3A_300 : i32 to index
        %swap3A_321 = arith.constant 16 : index
        %swap3A_322 = tpu.vector_load %arg12[%swap3A_320, %swap3A_321] {strides = array<i32>} : memref<128x64xf32, #tpu.memory_space<vmem>>, vector<1x16xf32>,
        %swap3A_323 = vector.shape_cast %swap3A_322 : vector<1x16xf32> to vector<16xf32>
        %swap3A_324 = vector.shape_cast %mul3A_319 : vector<16xf32> to vector<1x16xf32>
        tpu.vector_store %arg12[%swap3A_320, %swap3A_321], %swap3A_324 {strides = array<i32>} : memref<128x64xf32, #tpu.memory_space<vmem>>, vector<1x16xf32>,
        %get3A_325 = arith.index_cast %add3A_300 : i32 to index
        %get3A_326 = arith.constant 32 : index
        %get3A_327 = tpu.vector_load %arg8[%get3A_325, %get3A_326] {strides = array<i32>} : memref<128x64xf32, #tpu.memory_space<vmem>>, vector<1x16xf32>,
        %get3A_328 = vector.shape_cast %get3A_327 : vector<1x16xf32> to vector<16xf32>
        %mul3A_329 = arith.constant 8.000000e+00 : f32
        %mul3A_330 = vector.broadcast %mul3A_329 : f32 to vector<16xf32>
        %mul3A_331 = arith.mulf %get3A_328, %mul3A_330 : vector<16xf32>
        %swap3A_332 = arith.index_cast %add3A_300 : i32 to index
        %swap3A_333 = arith.constant 32 : index
        %swap3A_334 = tpu.vector_load %arg12[%swap3A_332, %swap3A_333] {strides = array<i32>} : memref<128x64xf32, #tpu.memory_space<vmem>>, vector<1x16xf32>,
        %swap3A_335 = vector.shape_cast %swap3A_334 : vector<1x16xf32> to vector<16xf32>
        %swap3A_336 = vector.shape_cast %mul3A_331 : vector<16xf32> to vector<1x16xf32>
        tpu.vector_store %arg12[%swap3A_332, %swap3A_333], %swap3A_336 {strides = array<i32>} : memref<128x64xf32, #tpu.memory_space<vmem>>, vector<1x16xf32>,
        %get3A_337 = arith.index_cast %add3A_300 : i32 to index
        %get3A_338 = arith.constant 48 : index
        %get3A_339 = tpu.vector_load %arg8[%get3A_337, %get3A_338] {strides = array<i32>} : memref<128x64xf32, #tpu.memory_space<vmem>>, vector<1x16xf32>,
        %get3A_340 = vector.shape_cast %get3A_339 : vector<1x16xf32> to vector<16xf32>
        %mul3A_341 = arith.constant 8.000000e+00 : f32
        %mul3A_342 = vector.broadcast %mul3A_341 : f32 to vector<16xf32>
        %mul3A_343 = arith.mulf %get3A_340, %mul3A_342 : vector<16xf32>
        %swap3A_344 = arith.index_cast %add3A_300 : i32 to index
        %swap3A_345 = arith.constant 48 : index
        %swap3A_346 = tpu.vector_load %arg12[%swap3A_344, %swap3A_345] {strides = array<i32>} : memref<128x64xf32, #tpu.memory_space<vmem>>, vector<1x16xf32>,
        %swap3A_347 = vector.shape_cast %swap3A_346 : vector<1x16xf32> to vector<16xf32>
        %swap3A_348 = vector.shape_cast %mul3A_343 : vector<16xf32> to vector<1x16xf32>
        tpu.vector_store %arg12[%swap3A_344, %swap3A_345], %swap3A_348 {strides = array<i32>} : memref<128x64xf32, #tpu.memory_space<vmem>>, vector<1x16xf32>,
        %mul3A_349 = arith.constant 4 : i32
        %mul3A_350 = arith.muli %scan3A_194, %mul3A_349 : i32
        %add3A_351 = arith.constant 3 : i32
        %add3A_352 = arith.addi %mul3A_350, %add3A_351 : i32
        %get3A_353 = arith.index_cast %add3A_352 : i32 to index
        %get3A_354 = arith.constant 0 : index
        %get3A_355 = tpu.vector_load %arg8[%get3A_353, %get3A_354] {strides = array<i32>} : memref<128x64xf32, #tpu.memory_space<vmem>>, vector<1x16xf32>,
        %get3A_356 = vector.shape_cast %get3A_355 : vector<1x16xf32> to vector<16xf32>
        %mul3A_357 = arith.constant 8.000000e+00 : f32
        %mul3A_358 = vector.broadcast %mul3A_357 : f32 to vector<16xf32>
        %mul3A_359 = arith.mulf %get3A_356, %mul3A_358 : vector<16xf32>
        %swap3A_360 = arith.index_cast %add3A_352 : i32 to index
        %swap3A_361 = arith.constant 0 : index
        %swap3A_362 = tpu.vector_load %arg12[%swap3A_360, %swap3A_361] {strides = array<i32>} : memref<128x64xf32, #tpu.memory_space<vmem>>, vector<1x16xf32>,
        %swap3A_363 = vector.shape_cast %swap3A_362 : vector<1x16xf32> to vector<16xf32>
        %swap3A_364 = vector.shape_cast %mul3A_359 : vector<16xf32> to vector<1x16xf32>
        tpu.vector_store %arg12[%swap3A_360, %swap3A_361], %swap3A_364 {strides = array<i32>} : memref<128x64xf32, #tpu.memory_space<vmem>>, vector<1x16xf32>,
        %get3A_365 = arith.index_cast %add3A_352 : i32 to index
        %get3A_366 = arith.constant 16 : index
        %get3A_367 = tpu.vector_load %arg8[%get3A_365, %get3A_366] {strides = array<i32>} : memref<128x64xf32, #tpu.memory_space<vmem>>, vector<1x16xf32>,
        %get3A_368 = vector.shape_cast %get3A_367 : vector<1x16xf32> to vector<16xf32>
        %mul3A_369 = arith.constant 8.000000e+00 : f32
        %mul3A_370 = vector.broadcast %mul3A_369 : f32 to vector<16xf32>
        %mul3A_371 = arith.mulf %get3A_368, %mul3A_370 : vector<16xf32>
        %swap3A_372 = arith.index_cast %add3A_352 : i32 to index
        %swap3A_373 = arith.constant 16 : index
        %swap3A_374 = tpu.vector_load %arg12[%swap3A_372, %swap3A_373] {strides = array<i32>} : memref<128x64xf32, #tpu.memory_space<vmem>>, vector<1x16xf32>,
        %swap3A_375 = vector.shape_cast %swap3A_374 : vector<1x16xf32> to vector<16xf32>
        %swap3A_376 = vector.shape_cast %mul3A_371 : vector<16xf32> to vector<1x16xf32>
        tpu.vector_store %arg12[%swap3A_372, %swap3A_373], %swap3A_376 {strides = array<i32>} : memref<128x64xf32, #tpu.memory_space<vmem>>, vector<1x16xf32>,
        %get3A_377 = arith.index_cast %add3A_352 : i32 to index
        %get3A_378 = arith.constant 32 : index
        %get3A_379 = tpu.vector_load %arg8[%get3A_377, %get3A_378] {strides = array<i32>} : memref<128x64xf32, #tpu.memory_space<vmem>>, vector<1x16xf32>,
        %get3A_380 = vector.shape_cast %get3A_379 : vector<1x16xf32> to vector<16xf32>
        %mul3A_381 = arith.constant 8.000000e+00 : f32
        %mul3A_382 = vector.broadcast %mul3A_381 : f32 to vector<16xf32>
        %mul3A_383 = arith.mulf %get3A_380, %mul3A_382 : vector<16xf32>
        %swap3A_384 = arith.index_cast %add3A_352 : i32 to index
        %swap3A_385 = arith.constant 32 : index
        %swap3A_386 = tpu.vector_load %arg12[%swap3A_384, %swap3A_385] {strides = array<i32>} : memref<128x64xf32, #tpu.memory_space<vmem>>, vector<1x16xf32>,
        %swap3A_387 = vector.shape_cast %swap3A_386 : vector<1x16xf32> to vector<16xf32>
        %swap3A_388 = vector.shape_cast %mul3A_383 : vector<16xf32> to vector<1x16xf32>
        tpu.vector_store %arg12[%swap3A_384, %swap3A_385], %swap3A_388 {strides = array<i32>} : memref<128x64xf32, #tpu.memory_space<vmem>>, vector<1x16xf32>,
        %get3A_389 = arith.index_cast %add3A_352 : i32 to index
        %get3A_390 = arith.constant 48 : index
        %get3A_391 = tpu.vector_load %arg8[%get3A_389, %get3A_390] {strides = array<i32>} : memref<128x64xf32, #tpu.memory_space<vmem>>, vector<1x16xf32>,
        %get3A_392 = vector.shape_cast %get3A_391 : vector<1x16xf32> to vector<16xf32>
        %mul3A_393 = arith.constant 8.000000e+00 : f32
        %mul3A_394 = vector.broadcast %mul3A_393 : f32 to vector<16xf32>
        %mul3A_395 = arith.mulf %get3A_392, %mul3A_394 : vector<16xf32>
        %swap3A_396 = arith.index_cast %add3A_352 : i32 to index
        %swap3A_397 = arith.constant 48 : index
        %swap3A_398 = tpu.vector_load %arg12[%swap3A_396, %swap3A_397] {strides = array<i32>} : memref<128x64xf32, #tpu.memory_space<vmem>>, vector<1x16xf32>,
        %swap3A_399 = vector.shape_cast %swap3A_398 : vector<1x16xf32> to vector<16xf32>
        %swap3A_400 = vector.shape_cast %mul3A_395 : vector<16xf32> to vector<1x16xf32>
        tpu.vector_store %arg12[%swap3A_396, %swap3A_397], %swap3A_400 {strides = array<i32>} : memref<128x64xf32, #tpu.memory_space<vmem>>, vector<1x16xf32>,
      }
      %scan3A_146 = arith.constant 32 : i32
      %lt3A_147 = arith.constant 49 : i32
      %lt3A_148 = arith.cmpi slt, %scan3A_58, %lt3A_147 : i32
      %convert_element_type3A_149 = arith.extui %lt3A_148 : i1 to i32
      %cond3A_150 = arith.constant 0 : i32
      %cond3A_151 = arith.cmpi ne, %convert_element_type3A_149, %cond3A_150 : i32
      scf.if %cond3A_151 {
        %add3A_194 = arith.constant 4 : i32
        %add3A_195 = arith.addi %add3A_127, %add3A_194 : i32
        %dma_start3A_196 = arith.constant 0 : i32
        %dma_start3A_197 = tpu.memref_slice %arg5[%add3A_195, %dma_start3A_196] : memref<200x128xi32, #tpu.memory_space<vmem>> -> memref<1x128xi32, #tpu.memory_space<vmem>>
        %dma_start3A_198 = tpu.memref_squeeze %dma_start3A_197 : memref<1x128xi32, #tpu.memory_space<vmem>> -> memref<128xi32, #tpu.memory_space<vmem>>
        %dma_start3A_199 = arith.constant 0 : i32
        %dma_start3A_200 = arith.constant 0 : i32
        %dma_start3A_201 = tpu.memref_slice %arg2[%dma_start3A_199, %dma_start3A_200] : memref<1000000x64xf32, #tpu.memory_space<hbm>> -> memref<1000000x64xf32, #tpu.memory_space<hbm>>
        tpu.enqueue_indirect_dma source(%dma_start3A_201 : memref<1000000x64xf32, #tpu.memory_space<hbm>>) target(%arg8 : memref<128x64xf32, #tpu.memory_space<vmem>>) offsets(%dma_start3A_198 : memref<128xi32, #tpu.memory_space<vmem>>) semaphore(%arg16 : memref<!tpu.dma_semaphore, #tpu.memory_space<semaphore_mem>>)
      } else {
      }
      %mul3A_152 = arith.constant 128 : i32
      %mul3A_153 = arith.muli %add3A_127, %mul3A_152 : i32
      %add3A_154 = arith.addi %mul3A_2, %mul3A_153 : i32
      %dma_start3A_155 = arith.constant 0 : i32
      %dma_start3A_156 = tpu.memref_slice %arg4[%add3A_154, %dma_start3A_155] : memref<819200x128xf32, #tpu.memory_space<hbm>> -> memref<128x64xf32, #tpu.memory_space<hbm>>
      %dma_start3A_157 = arith.constant 0 : i32
      %dma_start3A_158 = tpu.memref_slice %arg4[%add3A_154, %dma_start3A_157] : memref<819200x128xf32, #tpu.memory_space<hbm>> -> memref<128x64xf32, #tpu.memory_space<hbm>>
      tpu.enqueue_dma source(%arg12 : memref<128x64xf32, #tpu.memory_space<vmem>>) target(%dma_start3A_158 : memref<128x64xf32, #tpu.memory_space<hbm>>) target_semaphore(%arg20 : memref<!tpu.dma_semaphore, #tpu.memory_space<semaphore_mem>>)
      %mul3A_159 = arith.constant 4 : i32
      %mul3A_160 = arith.muli %scan3A_58, %mul3A_159 : i32
      %add3A_161 = arith.constant 3 : i32
      %add3A_162 = arith.addi %mul3A_160, %add3A_161 : i32
      %dma_wait3A_163 = arith.constant 0 : i32
      %dma_wait3A_164 = tpu.memref_slice %arg5[%add3A_162, %dma_wait3A_163] : memref<200x128xi32, #tpu.memory_space<vmem>> -> memref<1x128xi32, #tpu.memory_space<vmem>>
      %dma_wait3A_165 = tpu.memref_squeeze %dma_wait3A_164 : memref<1x128xi32, #tpu.memory_space<vmem>> -> memref<128xi32, #tpu.memory_space<vmem>>
      %dma_wait3A_166 = arith.constant 0 : i32
      %dma_wait3A_167 = arith.constant 0 : i32
      %dma_wait3A_168 = tpu.memref_slice %arg2[%dma_wait3A_166, %dma_wait3A_167] : memref<1000000x64xf32, #tpu.memory_space<hbm>> -> memref<1000000x64xf32, #tpu.memory_space<hbm>>
      tpu.wait_indirect_dma semaphore(%arg17 : memref<!tpu.dma_semaphore, #tpu.memory_space<semaphore_mem>>) src(%dma_wait3A_168 : memref<1000000x64xf32, #tpu.memory_space<hbm>>) dst(%arg9 : memref<128x64xf32, #tpu.memory_space<vmem>>)
      %gt3A_169 = arith.constant 0 : i32
      %gt3A_170 = arith.cmpi sgt, %scan3A_58, %gt3A_169 : i32
      %or3A_171 = arith.constant false
      %or3A_172 = arith.ori %gt3A_170, %or3A_171 : i1
      %convert_element_type3A_173 = arith.extui %or3A_172 : i1 to i32
      %cond3A_174 = arith.constant 0 : i32
      %cond3A_175 = arith.cmpi ne, %convert_element_type3A_173, %cond3A_174 : i32
      scf.if %cond3A_175 {
        %sub3A = arith.constant 4 : i32
        %sub3A_194 = arith.subi %add3A_162, %sub3A : i32
        %mul3A_195 = arith.constant 128 : i32
        %mul3A_196 = arith.muli %sub3A_194, %mul3A_195 : i32
        %add3A_197 = arith.addi %mul3A_2, %mul3A_196 : i32
        %dma_wait3A_198 = arith.constant 0 : i32
        %dma_wait3A_199 = tpu.memref_slice %arg4[%add3A_197, %dma_wait3A_198] : memref<819200x128xf32, #tpu.memory_space<hbm>> -> memref<128x64xf32, #tpu.memory_space<hbm>>
        %dma_wait3A_200 = arith.constant 0 : i32
        %dma_wait3A_201 = tpu.memref_slice %arg4[%add3A_197, %dma_wait3A_200] : memref<819200x128xf32, #tpu.memory_space<hbm>> -> memref<128x64xf32, #tpu.memory_space<hbm>>
        tpu.wait_dma2 semaphore(%arg21 : memref<!tpu.dma_semaphore, #tpu.memory_space<semaphore_mem>>) src(%arg13 : memref<128x64xf32, #tpu.memory_space<vmem>>) dst(%dma_wait3A_201 : memref<128x64xf32, #tpu.memory_space<hbm>>)
      } else {
      }
      %scan3A_176 = arith.constant 0 : i32
      %scan3A_177 = arith.constant 0 : i32
      %scan3A_178 = arith.constant 32 : i32
      %scan3A_179 = arith.addi %scan3A_177, %scan3A_178 : i32
      %scan3A_180 = arith.constant 1 : i32
      scf.for %scan3A_194 = %scan3A_177 to %scan3A_179 step %scan3A_180  : i32 {
        %mul3A_195 = arith.constant 4 : i32
        %mul3A_196 = arith.muli %scan3A_194, %mul3A_195 : i32
        %add3A_197 = arith.constant 0 : i32
        %add3A_198 = arith.addi %mul3A_196, %add3A_197 : i32
        %get3A = arith.index_cast %add3A_198 : i32 to index
        %get3A_199 = arith.constant 0 : index
        %get3A_200 = tpu.vector_load %arg9[%get3A, %get3A_199] {strides = array<i32>} : memref<128x64xf32, #tpu.memory_space<vmem>>, vector<1x16xf32>,
        %get3A_201 = vector.shape_cast %get3A_200 : vector<1x16xf32> to vector<16xf32>
        %mul3A_202 = arith.constant 8.000000e+00 : f32
        %mul3A_203 = vector.broadcast %mul3A_202 : f32 to vector<16xf32>
        %mul3A_204 = arith.mulf %get3A_201, %mul3A_203 : vector<16xf32>
        %swap3A = arith.index_cast %add3A_198 : i32 to index
        %swap3A_205 = arith.constant 0 : index
        %swap3A_206 = tpu.vector_load %arg13[%swap3A, %swap3A_205] {strides = array<i32>} : memref<128x64xf32, #tpu.memory_space<vmem>>, vector<1x16xf32>,
        %swap3A_207 = vector.shape_cast %swap3A_206 : vector<1x16xf32> to vector<16xf32>
        %swap3A_208 = vector.shape_cast %mul3A_204 : vector<16xf32> to vector<1x16xf32>
        tpu.vector_store %arg13[%swap3A, %swap3A_205], %swap3A_208 {strides = array<i32>} : memref<128x64xf32, #tpu.memory_space<vmem>>, vector<1x16xf32>,
        %get3A_209 = arith.index_cast %add3A_198 : i32 to index
        %get3A_210 = arith.constant 16 : index
        %get3A_211 = tpu.vector_load %arg9[%get3A_209, %get3A_210] {strides = array<i32>} : memref<128x64xf32, #tpu.memory_space<vmem>>, vector<1x16xf32>,
        %get3A_212 = vector.shape_cast %get3A_211 : vector<1x16xf32> to vector<16xf32>
        %mul3A_213 = arith.constant 8.000000e+00 : f32
        %mul3A_214 = vector.broadcast %mul3A_213 : f32 to vector<16xf32>
        %mul3A_215 = arith.mulf %get3A_212, %mul3A_214 : vector<16xf32>
        %swap3A_216 = arith.index_cast %add3A_198 : i32 to index
        %swap3A_217 = arith.constant 16 : index
        %swap3A_218 = tpu.vector_load %arg13[%swap3A_216, %swap3A_217] {strides = array<i32>} : memref<128x64xf32, #tpu.memory_space<vmem>>, vector<1x16xf32>,
        %swap3A_219 = vector.shape_cast %swap3A_218 : vector<1x16xf32> to vector<16xf32>
        %swap3A_220 = vector.shape_cast %mul3A_215 : vector<16xf32> to vector<1x16xf32>
        tpu.vector_store %arg13[%swap3A_216, %swap3A_217], %swap3A_220 {strides = array<i32>} : memref<128x64xf32, #tpu.memory_space<vmem>>, vector<1x16xf32>,
        %get3A_221 = arith.index_cast %add3A_198 : i32 to index
        %get3A_222 = arith.constant 32 : index
        %get3A_223 = tpu.vector_load %arg9[%get3A_221, %get3A_222] {strides = array<i32>} : memref<128x64xf32, #tpu.memory_space<vmem>>, vector<1x16xf32>,
        %get3A_224 = vector.shape_cast %get3A_223 : vector<1x16xf32> to vector<16xf32>
        %mul3A_225 = arith.constant 8.000000e+00 : f32
        %mul3A_226 = vector.broadcast %mul3A_225 : f32 to vector<16xf32>
        %mul3A_227 = arith.mulf %get3A_224, %mul3A_226 : vector<16xf32>
        %swap3A_228 = arith.index_cast %add3A_198 : i32 to index
        %swap3A_229 = arith.constant 32 : index
        %swap3A_230 = tpu.vector_load %arg13[%swap3A_228, %swap3A_229] {strides = array<i32>} : memref<128x64xf32, #tpu.memory_space<vmem>>, vector<1x16xf32>,
        %swap3A_231 = vector.shape_cast %swap3A_230 : vector<1x16xf32> to vector<16xf32>
        %swap3A_232 = vector.shape_cast %mul3A_227 : vector<16xf32> to vector<1x16xf32>
        tpu.vector_store %arg13[%swap3A_228, %swap3A_229], %swap3A_232 {strides = array<i32>} : memref<128x64xf32, #tpu.memory_space<vmem>>, vector<1x16xf32>,
        %get3A_233 = arith.index_cast %add3A_198 : i32 to index
        %get3A_234 = arith.constant 48 : index
        %get3A_235 = tpu.vector_load %arg9[%get3A_233, %get3A_234] {strides = array<i32>} : memref<128x64xf32, #tpu.memory_space<vmem>>, vector<1x16xf32>,
        %get3A_236 = vector.shape_cast %get3A_235 : vector<1x16xf32> to vector<16xf32>
        %mul3A_237 = arith.constant 8.000000e+00 : f32
        %mul3A_238 = vector.broadcast %mul3A_237 : f32 to vector<16xf32>
        %mul3A_239 = arith.mulf %get3A_236, %mul3A_238 : vector<16xf32>
        %swap3A_240 = arith.index_cast %add3A_198 : i32 to index
        %swap3A_241 = arith.constant 48 : index
        %swap3A_242 = tpu.vector_load %arg13[%swap3A_240, %swap3A_241] {strides = array<i32>} : memref<128x64xf32, #tpu.memory_space<vmem>>, vector<1x16xf32>,
        %swap3A_243 = vector.shape_cast %swap3A_242 : vector<1x16xf32> to vector<16xf32>
        %swap3A_244 = vector.shape_cast %mul3A_239 : vector<16xf32> to vector<1x16xf32>
        tpu.vector_store %arg13[%swap3A_240, %swap3A_241], %swap3A_244 {strides = array<i32>} : memref<128x64xf32, #tpu.memory_space<vmem>>, vector<1x16xf32>,
        %mul3A_245 = arith.constant 4 : i32
        %mul3A_246 = arith.muli %scan3A_194, %mul3A_245 : i32
        %add3A_247 = arith.constant 1 : i32
        %add3A_248 = arith.addi %mul3A_246, %add3A_247 : i32
        %get3A_249 = arith.index_cast %add3A_248 : i32 to index
        %get3A_250 = arith.constant 0 : index
        %get3A_251 = tpu.vector_load %arg9[%get3A_249, %get3A_250] {strides = array<i32>} : memref<128x64xf32, #tpu.memory_space<vmem>>, vector<1x16xf32>,
        %get3A_252 = vector.shape_cast %get3A_251 : vector<1x16xf32> to vector<16xf32>
        %mul3A_253 = arith.constant 8.000000e+00 : f32
        %mul3A_254 = vector.broadcast %mul3A_253 : f32 to vector<16xf32>
        %mul3A_255 = arith.mulf %get3A_252, %mul3A_254 : vector<16xf32>
        %swap3A_256 = arith.index_cast %add3A_248 : i32 to index
        %swap3A_257 = arith.constant 0 : index
        %swap3A_258 = tpu.vector_load %arg13[%swap3A_256, %swap3A_257] {strides = array<i32>} : memref<128x64xf32, #tpu.memory_space<vmem>>, vector<1x16xf32>,
        %swap3A_259 = vector.shape_cast %swap3A_258 : vector<1x16xf32> to vector<16xf32>
        %swap3A_260 = vector.shape_cast %mul3A_255 : vector<16xf32> to vector<1x16xf32>
        tpu.vector_store %arg13[%swap3A_256, %swap3A_257], %swap3A_260 {strides = array<i32>} : memref<128x64xf32, #tpu.memory_space<vmem>>, vector<1x16xf32>,
        %get3A_261 = arith.index_cast %add3A_248 : i32 to index
        %get3A_262 = arith.constant 16 : index
        %get3A_263 = tpu.vector_load %arg9[%get3A_261, %get3A_262] {strides = array<i32>} : memref<128x64xf32, #tpu.memory_space<vmem>>, vector<1x16xf32>,
        %get3A_264 = vector.shape_cast %get3A_263 : vector<1x16xf32> to vector<16xf32>
        %mul3A_265 = arith.constant 8.000000e+00 : f32
        %mul3A_266 = vector.broadcast %mul3A_265 : f32 to vector<16xf32>
        %mul3A_267 = arith.mulf %get3A_264, %mul3A_266 : vector<16xf32>
        %swap3A_268 = arith.index_cast %add3A_248 : i32 to index
        %swap3A_269 = arith.constant 16 : index
        %swap3A_270 = tpu.vector_load %arg13[%swap3A_268, %swap3A_269] {strides = array<i32>} : memref<128x64xf32, #tpu.memory_space<vmem>>, vector<1x16xf32>,
        %swap3A_271 = vector.shape_cast %swap3A_270 : vector<1x16xf32> to vector<16xf32>
        %swap3A_272 = vector.shape_cast %mul3A_267 : vector<16xf32> to vector<1x16xf32>
        tpu.vector_store %arg13[%swap3A_268, %swap3A_269], %swap3A_272 {strides = array<i32>} : memref<128x64xf32, #tpu.memory_space<vmem>>, vector<1x16xf32>,
        %get3A_273 = arith.index_cast %add3A_248 : i32 to index
        %get3A_274 = arith.constant 32 : index
        %get3A_275 = tpu.vector_load %arg9[%get3A_273, %get3A_274] {strides = array<i32>} : memref<128x64xf32, #tpu.memory_space<vmem>>, vector<1x16xf32>,
        %get3A_276 = vector.shape_cast %get3A_275 : vector<1x16xf32> to vector<16xf32>
        %mul3A_277 = arith.constant 8.000000e+00 : f32
        %mul3A_278 = vector.broadcast %mul3A_277 : f32 to vector<16xf32>
        %mul3A_279 = arith.mulf %get3A_276, %mul3A_278 : vector<16xf32>
        %swap3A_280 = arith.index_cast %add3A_248 : i32 to index
        %swap3A_281 = arith.constant 32 : index
        %swap3A_282 = tpu.vector_load %arg13[%swap3A_280, %swap3A_281] {strides = array<i32>} : memref<128x64xf32, #tpu.memory_space<vmem>>, vector<1x16xf32>,
        %swap3A_283 = vector.shape_cast %swap3A_282 : vector<1x16xf32> to vector<16xf32>
        %swap3A_284 = vector.shape_cast %mul3A_279 : vector<16xf32> to vector<1x16xf32>
        tpu.vector_store %arg13[%swap3A_280, %swap3A_281], %swap3A_284 {strides = array<i32>} : memref<128x64xf32, #tpu.memory_space<vmem>>, vector<1x16xf32>,
        %get3A_285 = arith.index_cast %add3A_248 : i32 to index
        %get3A_286 = arith.constant 48 : index
        %get3A_287 = tpu.vector_load %arg9[%get3A_285, %get3A_286] {strides = array<i32>} : memref<128x64xf32, #tpu.memory_space<vmem>>, vector<1x16xf32>,
        %get3A_288 = vector.shape_cast %get3A_287 : vector<1x16xf32> to vector<16xf32>
        %mul3A_289 = arith.constant 8.000000e+00 : f32
        %mul3A_290 = vector.broadcast %mul3A_289 : f32 to vector<16xf32>
        %mul3A_291 = arith.mulf %get3A_288, %mul3A_290 : vector<16xf32>
        %swap3A_292 = arith.index_cast %add3A_248 : i32 to index
        %swap3A_293 = arith.constant 48 : index
        %swap3A_294 = tpu.vector_load %arg13[%swap3A_292, %swap3A_293] {strides = array<i32>} : memref<128x64xf32, #tpu.memory_space<vmem>>, vector<1x16xf32>,
        %swap3A_295 = vector.shape_cast %swap3A_294 : vector<1x16xf32> to vector<16xf32>
        %swap3A_296 = vector.shape_cast %mul3A_291 : vector<16xf32> to vector<1x16xf32>
        tpu.vector_store %arg13[%swap3A_292, %swap3A_293], %swap3A_296 {strides = array<i32>} : memref<128x64xf32, #tpu.memory_space<vmem>>, vector<1x16xf32>,
        %mul3A_297 = arith.constant 4 : i32
        %mul3A_298 = arith.muli %scan3A_194, %mul3A_297 : i32
        %add3A_299 = arith.constant 2 : i32
        %add3A_300 = arith.addi %mul3A_298, %add3A_299 : i32
        %get3A_301 = arith.index_cast %add3A_300 : i32 to index
        %get3A_302 = arith.constant 0 : index
        %get3A_303 = tpu.vector_load %arg9[%get3A_301, %get3A_302] {strides = array<i32>} : memref<128x64xf32, #tpu.memory_space<vmem>>, vector<1x16xf32>,
        %get3A_304 = vector.shape_cast %get3A_303 : vector<1x16xf32> to vector<16xf32>
        %mul3A_305 = arith.constant 8.000000e+00 : f32
        %mul3A_306 = vector.broadcast %mul3A_305 : f32 to vector<16xf32>
        %mul3A_307 = arith.mulf %get3A_304, %mul3A_306 : vector<16xf32>
        %swap3A_308 = arith.index_cast %add3A_300 : i32 to index
        %swap3A_309 = arith.constant 0 : index
        %swap3A_310 = tpu.vector_load %arg13[%swap3A_308, %swap3A_309] {strides = array<i32>} : memref<128x64xf32, #tpu.memory_space<vmem>>, vector<1x16xf32>,
        %swap3A_311 = vector.shape_cast %swap3A_310 : vector<1x16xf32> to vector<16xf32>
        %swap3A_312 = vector.shape_cast %mul3A_307 : vector<16xf32> to vector<1x16xf32>
        tpu.vector_store %arg13[%swap3A_308, %swap3A_309], %swap3A_312 {strides = array<i32>} : memref<128x64xf32, #tpu.memory_space<vmem>>, vector<1x16xf32>,
        %get3A_313 = arith.index_cast %add3A_300 : i32 to index
        %get3A_314 = arith.constant 16 : index
        %get3A_315 = tpu.vector_load %arg9[%get3A_313, %get3A_314] {strides = array<i32>} : memref<128x64xf32, #tpu.memory_space<vmem>>, vector<1x16xf32>,
        %get3A_316 = vector.shape_cast %get3A_315 : vector<1x16xf32> to vector<16xf32>
        %mul3A_317 = arith.constant 8.000000e+00 : f32
        %mul3A_318 = vector.broadcast %mul3A_317 : f32 to vector<16xf32>
        %mul3A_319 = arith.mulf %get3A_316, %mul3A_318 : vector<16xf32>
        %swap3A_320 = arith.index_cast %add3A_300 : i32 to index
        %swap3A_321 = arith.constant 16 : index
        %swap3A_322 = tpu.vector_load %arg13[%swap3A_320, %swap3A_321] {strides = array<i32>} : memref<128x64xf32, #tpu.memory_space<vmem>>, vector<1x16xf32>,
        %swap3A_323 = vector.shape_cast %swap3A_322 : vector<1x16xf32> to vector<16xf32>
        %swap3A_324 = vector.shape_cast %mul3A_319 : vector<16xf32> to vector<1x16xf32>
        tpu.vector_store %arg13[%swap3A_320, %swap3A_321], %swap3A_324 {strides = array<i32>} : memref<128x64xf32, #tpu.memory_space<vmem>>, vector<1x16xf32>,
        %get3A_325 = arith.index_cast %add3A_300 : i32 to index
        %get3A_326 = arith.constant 32 : index
        %get3A_327 = tpu.vector_load %arg9[%get3A_325, %get3A_326] {strides = array<i32>} : memref<128x64xf32, #tpu.memory_space<vmem>>, vector<1x16xf32>,
        %get3A_328 = vector.shape_cast %get3A_327 : vector<1x16xf32> to vector<16xf32>
        %mul3A_329 = arith.constant 8.000000e+00 : f32
        %mul3A_330 = vector.broadcast %mul3A_329 : f32 to vector<16xf32>
        %mul3A_331 = arith.mulf %get3A_328, %mul3A_330 : vector<16xf32>
        %swap3A_332 = arith.index_cast %add3A_300 : i32 to index
        %swap3A_333 = arith.constant 32 : index
        %swap3A_334 = tpu.vector_load %arg13[%swap3A_332, %swap3A_333] {strides = array<i32>} : memref<128x64xf32, #tpu.memory_space<vmem>>, vector<1x16xf32>,
        %swap3A_335 = vector.shape_cast %swap3A_334 : vector<1x16xf32> to vector<16xf32>
        %swap3A_336 = vector.shape_cast %mul3A_331 : vector<16xf32> to vector<1x16xf32>
        tpu.vector_store %arg13[%swap3A_332, %swap3A_333], %swap3A_336 {strides = array<i32>} : memref<128x64xf32, #tpu.memory_space<vmem>>, vector<1x16xf32>,
        %get3A_337 = arith.index_cast %add3A_300 : i32 to index
        %get3A_338 = arith.constant 48 : index
        %get3A_339 = tpu.vector_load %arg9[%get3A_337, %get3A_338] {strides = array<i32>} : memref<128x64xf32, #tpu.memory_space<vmem>>, vector<1x16xf32>,
        %get3A_340 = vector.shape_cast %get3A_339 : vector<1x16xf32> to vector<16xf32>
        %mul3A_341 = arith.constant 8.000000e+00 : f32
        %mul3A_342 = vector.broadcast %mul3A_341 : f32 to vector<16xf32>
        %mul3A_343 = arith.mulf %get3A_340, %mul3A_342 : vector<16xf32>
        %swap3A_344 = arith.index_cast %add3A_300 : i32 to index
        %swap3A_345 = arith.constant 48 : index
        %swap3A_346 = tpu.vector_load %arg13[%swap3A_344, %swap3A_345] {strides = array<i32>} : memref<128x64xf32, #tpu.memory_space<vmem>>, vector<1x16xf32>,
        %swap3A_347 = vector.shape_cast %swap3A_346 : vector<1x16xf32> to vector<16xf32>
        %swap3A_348 = vector.shape_cast %mul3A_343 : vector<16xf32> to vector<1x16xf32>
        tpu.vector_store %arg13[%swap3A_344, %swap3A_345], %swap3A_348 {strides = array<i32>} : memref<128x64xf32, #tpu.memory_space<vmem>>, vector<1x16xf32>,
        %mul3A_349 = arith.constant 4 : i32
        %mul3A_350 = arith.muli %scan3A_194, %mul3A_349 : i32
        %add3A_351 = arith.constant 3 : i32
        %add3A_352 = arith.addi %mul3A_350, %add3A_351 : i32
        %get3A_353 = arith.index_cast %add3A_352 : i32 to index
        %get3A_354 = arith.constant 0 : index
        %get3A_355 = tpu.vector_load %arg9[%get3A_353, %get3A_354] {strides = array<i32>} : memref<128x64xf32, #tpu.memory_space<vmem>>, vector<1x16xf32>,
        %get3A_356 = vector.shape_cast %get3A_355 : vector<1x16xf32> to vector<16xf32>
        %mul3A_357 = arith.constant 8.000000e+00 : f32
        %mul3A_358 = vector.broadcast %mul3A_357 : f32 to vector<16xf32>
        %mul3A_359 = arith.mulf %get3A_356, %mul3A_358 : vector<16xf32>
        %swap3A_360 = arith.index_cast %add3A_352 : i32 to index
        %swap3A_361 = arith.constant 0 : index
        %swap3A_362 = tpu.vector_load %arg13[%swap3A_360, %swap3A_361] {strides = array<i32>} : memref<128x64xf32, #tpu.memory_space<vmem>>, vector<1x16xf32>,
        %swap3A_363 = vector.shape_cast %swap3A_362 : vector<1x16xf32> to vector<16xf32>
        %swap3A_364 = vector.shape_cast %mul3A_359 : vector<16xf32> to vector<1x16xf32>
        tpu.vector_store %arg13[%swap3A_360, %swap3A_361], %swap3A_364 {strides = array<i32>} : memref<128x64xf32, #tpu.memory_space<vmem>>, vector<1x16xf32>,
        %get3A_365 = arith.index_cast %add3A_352 : i32 to index
        %get3A_366 = arith.constant 16 : index
        %get3A_367 = tpu.vector_load %arg9[%get3A_365, %get3A_366] {strides = array<i32>} : memref<128x64xf32, #tpu.memory_space<vmem>>, vector<1x16xf32>,
        %get3A_368 = vector.shape_cast %get3A_367 : vector<1x16xf32> to vector<16xf32>
        %mul3A_369 = arith.constant 8.000000e+00 : f32
        %mul3A_370 = vector.broadcast %mul3A_369 : f32 to vector<16xf32>
        %mul3A_371 = arith.mulf %get3A_368, %mul3A_370 : vector<16xf32>
        %swap3A_372 = arith.index_cast %add3A_352 : i32 to index
        %swap3A_373 = arith.constant 16 : index
        %swap3A_374 = tpu.vector_load %arg13[%swap3A_372, %swap3A_373] {strides = array<i32>} : memref<128x64xf32, #tpu.memory_space<vmem>>, vector<1x16xf32>,
        %swap3A_375 = vector.shape_cast %swap3A_374 : vector<1x16xf32> to vector<16xf32>
        %swap3A_376 = vector.shape_cast %mul3A_371 : vector<16xf32> to vector<1x16xf32>
        tpu.vector_store %arg13[%swap3A_372, %swap3A_373], %swap3A_376 {strides = array<i32>} : memref<128x64xf32, #tpu.memory_space<vmem>>, vector<1x16xf32>,
        %get3A_377 = arith.index_cast %add3A_352 : i32 to index
        %get3A_378 = arith.constant 32 : index
        %get3A_379 = tpu.vector_load %arg9[%get3A_377, %get3A_378] {strides = array<i32>} : memref<128x64xf32, #tpu.memory_space<vmem>>, vector<1x16xf32>,
        %get3A_380 = vector.shape_cast %get3A_379 : vector<1x16xf32> to vector<16xf32>
        %mul3A_381 = arith.constant 8.000000e+00 : f32
        %mul3A_382 = vector.broadcast %mul3A_381 : f32 to vector<16xf32>
        %mul3A_383 = arith.mulf %get3A_380, %mul3A_382 : vector<16xf32>
        %swap3A_384 = arith.index_cast %add3A_352 : i32 to index
        %swap3A_385 = arith.constant 32 : index
        %swap3A_386 = tpu.vector_load %arg13[%swap3A_384, %swap3A_385] {strides = array<i32>} : memref<128x64xf32, #tpu.memory_space<vmem>>, vector<1x16xf32>,
        %swap3A_387 = vector.shape_cast %swap3A_386 : vector<1x16xf32> to vector<16xf32>
        %swap3A_388 = vector.shape_cast %mul3A_383 : vector<16xf32> to vector<1x16xf32>
        tpu.vector_store %arg13[%swap3A_384, %swap3A_385], %swap3A_388 {strides = array<i32>} : memref<128x64xf32, #tpu.memory_space<vmem>>, vector<1x16xf32>,
        %get3A_389 = arith.index_cast %add3A_352 : i32 to index
        %get3A_390 = arith.constant 48 : index
        %get3A_391 = tpu.vector_load %arg9[%get3A_389, %get3A_390] {strides = array<i32>} : memref<128x64xf32, #tpu.memory_space<vmem>>, vector<1x16xf32>,
        %get3A_392 = vector.shape_cast %get3A_391 : vector<1x16xf32> to vector<16xf32>
        %mul3A_393 = arith.constant 8.000000e+00 : f32
        %mul3A_394 = vector.broadcast %mul3A_393 : f32 to vector<16xf32>
        %mul3A_395 = arith.mulf %get3A_392, %mul3A_394 : vector<16xf32>
        %swap3A_396 = arith.index_cast %add3A_352 : i32 to index
        %swap3A_397 = arith.constant 48 : index
        %swap3A_398 = tpu.vector_load %arg13[%swap3A_396, %swap3A_397] {strides = array<i32>} : memref<128x64xf32, #tpu.memory_space<vmem>>, vector<1x16xf32>,
        %swap3A_399 = vector.shape_cast %swap3A_398 : vector<1x16xf32> to vector<16xf32>
        %swap3A_400 = vector.shape_cast %mul3A_395 : vector<16xf32> to vector<1x16xf32>
        tpu.vector_store %arg13[%swap3A_396, %swap3A_397], %swap3A_400 {strides = array<i32>} : memref<128x64xf32, #tpu.memory_space<vmem>>, vector<1x16xf32>,
      }
      %scan3A_181 = arith.constant 32 : i32
      %lt3A_182 = arith.constant 49 : i32
      %lt3A_183 = arith.cmpi slt, %scan3A_58, %lt3A_182 : i32
      %convert_element_type3A_184 = arith.extui %lt3A_183 : i1 to i32
      %cond3A_185 = arith.constant 0 : i32
      %cond3A_186 = arith.cmpi ne, %convert_element_type3A_184, %cond3A_185 : i32
      scf.if %cond3A_186 {
        %add3A_194 = arith.constant 4 : i32
        %add3A_195 = arith.addi %add3A_162, %add3A_194 : i32
        %dma_start3A_196 = arith.constant 0 : i32
        %dma_start3A_197 = tpu.memref_slice %arg5[%add3A_195, %dma_start3A_196] : memref<200x128xi32, #tpu.memory_space<vmem>> -> memref<1x128xi32, #tpu.memory_space<vmem>>
        %dma_start3A_198 = tpu.memref_squeeze %dma_start3A_197 : memref<1x128xi32, #tpu.memory_space<vmem>> -> memref<128xi32, #tpu.memory_space<vmem>>
        %dma_start3A_199 = arith.constant 0 : i32
        %dma_start3A_200 = arith.constant 0 : i32
        %dma_start3A_201 = tpu.memref_slice %arg2[%dma_start3A_199, %dma_start3A_200] : memref<1000000x64xf32, #tpu.memory_space<hbm>> -> memref<1000000x64xf32, #tpu.memory_space<hbm>>
        tpu.enqueue_indirect_dma source(%dma_start3A_201 : memref<1000000x64xf32, #tpu.memory_space<hbm>>) target(%arg9 : memref<128x64xf32, #tpu.memory_space<vmem>>) offsets(%dma_start3A_198 : memref<128xi32, #tpu.memory_space<vmem>>) semaphore(%arg17 : memref<!tpu.dma_semaphore, #tpu.memory_space<semaphore_mem>>)
      } else {
      }
      %mul3A_187 = arith.constant 128 : i32
      %mul3A_188 = arith.muli %add3A_162, %mul3A_187 : i32
      %add3A_189 = arith.addi %mul3A_2, %mul3A_188 : i32
      %dma_start3A_190 = arith.constant 0 : i32
      %dma_start3A_191 = tpu.memref_slice %arg4[%add3A_189, %dma_start3A_190] : memref<819200x128xf32, #tpu.memory_space<hbm>> -> memref<128x64xf32, #tpu.memory_space<hbm>>
      %dma_start3A_192 = arith.constant 0 : i32
      %dma_start3A_193 = tpu.memref_slice %arg4[%add3A_189, %dma_start3A_192] : memref<819200x128xf32, #tpu.memory_space<hbm>> -> memref<128x64xf32, #tpu.memory_space<hbm>>
      tpu.enqueue_dma source(%arg13 : memref<128x64xf32, #tpu.memory_space<vmem>>) target(%dma_start3A_193 : memref<128x64xf32, #tpu.memory_space<hbm>>) target_semaphore(%arg21 : memref<!tpu.dma_semaphore, #tpu.memory_space<semaphore_mem>>)
    }
    %scan3A_34 = arith.constant 50 : i32
    %add3A_35 = arith.constant 25088 : i32
    %add3A_36 = arith.addi %mul3A_2, %add3A_35 : i32
    %dma_wait3A = arith.constant 0 : i32
    %dma_wait3A_37 = tpu.memref_slice %arg4[%add3A_36, %dma_wait3A] : memref<819200x128xf32, #tpu.memory_space<hbm>> -> memref<128x64xf32, #tpu.memory_space<hbm>>
    %dma_wait3A_38 = arith.constant 0 : i32
    %dma_wait3A_39 = tpu.memref_slice %arg4[%add3A_36, %dma_wait3A_38] : memref<819200x128xf32, #tpu.memory_space<hbm>> -> memref<128x64xf32, #tpu.memory_space<hbm>>
    tpu.wait_dma2 semaphore(%arg18 : memref<!tpu.dma_semaphore, #tpu.memory_space<semaphore_mem>>) src(%arg10 : memref<128x64xf32, #tpu.memory_space<vmem>>) dst(%dma_wait3A_39 : memref<128x64xf32, #tpu.memory_space<hbm>>)
    %add3A_40 = arith.constant 25216 : i32
    %add3A_41 = arith.addi %mul3A_2, %add3A_40 : i32
    %dma_wait3A_42 = arith.constant 0 : i32
    %dma_wait3A_43 = tpu.memref_slice %arg4[%add3A_41, %dma_wait3A_42] : memref<819200x128xf32, #tpu.memory_space<hbm>> -> memref<128x64xf32, #tpu.memory_space<hbm>>
    %dma_wait3A_44 = arith.constant 0 : i32
    %dma_wait3A_45 = tpu.memref_slice %arg4[%add3A_41, %dma_wait3A_44] : memref<819200x128xf32, #tpu.memory_space<hbm>> -> memref<128x64xf32, #tpu.memory_space<hbm>>
    tpu.wait_dma2 semaphore(%arg19 : memref<!tpu.dma_semaphore, #tpu.memory_space<semaphore_mem>>) src(%arg11 : memref<128x64xf32, #tpu.memory_space<vmem>>) dst(%dma_wait3A_45 : memref<128x64xf32, #tpu.memory_space<hbm>>)
    %add3A_46 = arith.constant 25344 : i32
    %add3A_47 = arith.addi %mul3A_2, %add3A_46 : i32
    %dma_wait3A_48 = arith.constant 0 : i32
    %dma_wait3A_49 = tpu.memref_slice %arg4[%add3A_47, %dma_wait3A_48] : memref<819200x128xf32, #tpu.memory_space<hbm>> -> memref<128x64xf32, #tpu.memory_space<hbm>>
    %dma_wait3A_50 = arith.constant 0 : i32
    %dma_wait3A_51 = tpu.memref_slice %arg4[%add3A_47, %dma_wait3A_50] : memref<819200x128xf32, #tpu.memory_space<hbm>> -> memref<128x64xf32, #tpu.memory_space<hbm>>
    tpu.wait_dma2 semaphore(%arg20 : memref<!tpu.dma_semaphore, #tpu.memory_space<semaphore_mem>>) src(%arg12 : memref<128x64xf32, #tpu.memory_space<vmem>>) dst(%dma_wait3A_51 : memref<128x64xf32, #tpu.memory_space<hbm>>)
    %add3A_52 = arith.constant 25472 : i32
    %add3A_53 = arith.addi %mul3A_2, %add3A_52 : i32
    %dma_wait3A_54 = arith.constant 0 : i32
    %dma_wait3A_55 = tpu.memref_slice %arg4[%add3A_53, %dma_wait3A_54] : memref<819200x128xf32, #tpu.memory_space<hbm>> -> memref<128x64xf32, #tpu.memory_space<hbm>>
    %dma_wait3A_56 = arith.constant 0 : i32
    %dma_wait3A_57 = tpu.memref_slice %arg4[%add3A_53, %dma_wait3A_56] : memref<819200x128xf32, #tpu.memory_space<hbm>> -> memref<128x64xf32, #tpu.memory_space<hbm>>
    tpu.wait_dma2 semaphore(%arg21 : memref<!tpu.dma_semaphore, #tpu.memory_space<semaphore_mem>>) src(%arg13 : memref<128x64xf32, #tpu.memory_space<vmem>>) dst(%dma_wait3A_57 : memref<128x64xf32, #tpu.memory_space<hbm>>)
    return
  }
}

</mosaic_0001>

<sc_bundles>
// kernel: kernel.3.cloned.1.call-start
scs
__scs_entry_jumppad:
0x0: {  	(pc) =	sbr.rel $0x88, $3  }
0x1: {  	(tag) =	ssettag $0x0;
	lr =	simm.s32 $0x1  }
0x2: {  	[smem:$0x3F9F] =	sst lr;
	_ =	strace $0xD0000000  }
0x3: {  	_ = 	snop  }
0x4: {  	_ = 	snop  }
0x5: {  	_ = 	snop  }
0x6: {  	_ = 	snop  }
0x7: {  	_ = 	snop  }
__scs_overlays_trampoline_lowered:
0x8: {  	[smem:$0x3FAE] =	sst s0  }
0x9: {  	[smem:$0x3FAF] =	sst s1  }
0xa: {  	[smem:$0x3FB0] =	sst s2  }
0xb: {  	[smem:$0x3FB1] =	sst s3  }
0xc: {  	[smem:$0x3FB2] =	sst s4  }
0xd: {  	[smem:$0x3FB3] =	sst s5  }
0xe: {  	[smem:$0x3FB4] =	sst s6  }
0xf: {  	[smem:$0x3FB5] =	sst s7  }
0x10: {  	[smem:$0x3FB6] =	sst s8  }
0x11: {  	[smem:$0x3FB7] =	sst s9;
	s0 =	simm.s32 @!p0 $0x0  }
0x12: {  	s1 =	sld [smem:$0x3F9D];
	s0 =	simm.s32 @p0 $0x1  }
0x13: {  	[smem:$0x3FB8] =	sst s0;
	s0 =	simm.s32 @!p1 $0x0  }
0x14: {  	s2 =	sld [smem:$0x3F9C];
	s0 =	simm.s32 @p1 $0x1  }
0x15: {  	[smem:$0x3FB9] =	sst s0;
	s0 =	simm.s32 @!p2 $0x0  }
0x16: {  	s3 =	sld [smem:$0x3FDB];
	s0 =	simm.s32 @p2 $0x1  }
0x17: {  	s4 =	simm.s32 $0x1BF5;
	[smem:$0x3FBB] =	sst s0  }
0x18: {  	s0 =	sld [smem:$0x3F9E];
	_ =	swait.ge [sflag:s4], $0x0  }
0x19: {  	s7 =	sld [smem:$0x3F9F]  }
0x1a: {  	s8 =	sadd.s32 $0xFFFFE003, lr  }
0x1b: {  	s9 =	sadd.s32 $0xFFFFFEF7, lr;
	s5 =	simm.s32 $0xFFFFFFFF;
	p2 =	slt.u32 s8, $0xFFFFF086  }
0x1c: {  	p1 =	slt.u32 s9, $0xF7A;
	s5 =	simm.s32 @!p2 $0x0  }
0x1d: {  	s5 =	simm.s32 @p1 $0x1;
	p0 =	seq.s32 s7, s2  }
0x1e: {  	s7 =	smul.u32 @!p0 $0xF7A, s2;
	p2 =	seq.s32 @!p0 s5, $0x0  }
0x1f: {  	s9 =	smul.u32 $0xF7A, s1;
	s8 =	simm.s32 @!p0 $0x1BF5;
	p2 =	por !p2, p0  }
0x20: {  	[sflag:s8] =	ssyncset.s32 @!p0 $0xFFFFF086;
	s6 =	sadd.s32 @!p0 s3, s7;
	s7 =	simm.s32 @!p0 $0x108  }
0x21: {  	s3 =	sadd.s32 s3, s9;
	s6 =	sadd.s32 @!p0 $0x88, s6;
	s7 =	simm.s32 @p2 $0x1082  }
0x22: {  	[simem:s7], [sflag:s8] =	dma.local @!p0 [hbm:s6], $0xF7A  }
0x23: {  	s9 =	sor.u32 $0xD0000000, s2;
	s6 =	simm.s32 $0x108;
	_ =	swait.ge @!p0 [sflag:s8], $0x0  }
0x24: {  	s3 =	sadd.s32 $0x88, s3;
	s6 =	simm.s32 @!p1 $0x1082;
	[sflag:s4] =	ssyncset.s32 $0xFFFFF086  }
0x25: {  	[simem:s6], [sflag:s4] =	dma.local [hbm:s3], $0xF7A  }
0x26: {  	[smem:$0x3F9F] =	sst s1;
	(tag) =	ssettag s2;
	_ =	strace s9  }
0x27: {  	s1 =	sld [smem:$0x3FAF]  }
0x28: {  	s2 =	sld [smem:$0x3FB0]  }
0x29: {  	s4 =	sld [smem:$0x3FB2]  }
0x2a: {  	p0 =	seq.s32 s5, $0x0;
	s5 =	sld [smem:$0x3FB3]  }
0x2b: {  	s6 =	sld [smem:$0x3FB4]  }
0x2c: {  	s7 =	sld [smem:$0x3FB5]  }
0x2d: {  	s3 =	simm.s32 $0x108;
	s8 =	sld [smem:$0x3FB6]  }
0x2e: {  	s3 =	simm.s32 @!p0 $0x1082;
	s9 =	sld [smem:$0x3FB7]  }
0x2f: {  	lr =	sadd.s32 s0, s3;
	s0 =	sld [smem:$0x3FAE]  }
0x30: {  	s3 =	sld [smem:$0x3FB1]  }
0x31: {  	[smem:$0x3FBA] =	sst s10  }
0x32: {  	s10 =	sld [smem:$0x3FB8];
	_ =	sdelay $0x3  }
0x33: {  	p0 =	seq.s32 s10, $0x1;
	s10 =	sld [smem:$0x3FBA];
	_ =	sdelay $0x3  }
0x34: {  	[smem:$0x3FBA] =	sst s10  }
0x35: {  	s10 =	sld [smem:$0x3FB9];
	_ =	sdelay $0x3  }
0x36: {  	p1 =	seq.s32 s10, $0x1;
	s10 =	sld [smem:$0x3FBA];
	_ =	sdelay $0x3  }
0x37: {  	[smem:$0x3FBA] =	sst s10  }
0x38: {  	s10 =	sld [smem:$0x3FBB]  }
0x39: {  	_ = 	snop;
	(pc) =	sbr.ind lr, $3  }
0x3a: {  	_ = 	snop  }
0x3b: {  	_ = 	snop  }
0x3c: {  	p2 =	seq.s32 s10, $0x1;
	s10 =	sld [smem:$0x3FBA]  }
0x3d: {  	_ =	shalt  }
0x3e: {  	_ =	shalt  }
0x3f: {  	_ =	shalt  }
0x40: {  	_ =	shalt  }
0x41: {  	_ =	shalt  }
0x42: {  	_ =	shalt  }
0x43: {  	_ =	shalt  }
0x44: {  	_ =	shalt  }
0x45: {  	_ =	shalt  }
0x46: {  	_ =	shalt  }
0x47: {  	_ =	shalt  }
0x48: {  	_ =	shalt  }
0x49: {  	_ =	shalt  }
0x4a: {  	_ =	shalt  }
0x4b: {  	_ =	shalt  }
0x4c: {  	_ =	shalt  }
0x4d: {  	_ =	shalt  }
0x4e: {  	_ =	shalt  }
0x4f: {  	_ =	shalt  }
0x50: {  	_ =	shalt  }
0x51: {  	_ =	shalt  }
0x52: {  	_ =	shalt  }
0x53: {  	_ =	shalt  }
0x54: {  	_ =	shalt  }
0x55: {  	_ =	shalt  }
0x56: {  	_ =	shalt  }
0x57: {  	_ =	shalt  }
0x58: {  	_ =	shalt  }
0x59: {  	_ =	shalt  }
0x5a: {  	_ =	shalt  }
0x5b: {  	_ =	shalt  }
0x5c: {  	_ =	shalt  }
0x5d: {  	_ =	shalt  }
0x5e: {  	_ =	shalt  }
0x5f: {  	_ =	shalt  }
0x60: {  	_ =	shalt  }
0x61: {  	_ =	shalt  }
0x62: {  	_ =	shalt  }
0x63: {  	_ =	shalt  }
0x64: {  	_ =	shalt  }
0x65: {  	_ =	shalt  }
0x66: {  	_ =	shalt  }
0x67: {  	_ =	shalt  }
0x68: {  	_ =	shalt  }
0x69: {  	_ =	shalt  }
0x6a: {  	_ =	shalt  }
0x6b: {  	_ =	shalt  }
0x6c: {  	_ =	shalt  }
0x6d: {  	_ =	shalt  }
0x6e: {  	_ =	shalt  }
0x6f: {  	_ =	shalt  }
0x70: {  	_ =	shalt  }
0x71: {  	_ =	shalt  }
0x72: {  	_ =	shalt  }
0x73: {  	_ =	shalt  }
0x74: {  	_ =	shalt  }
0x75: {  	_ =	shalt  }
0x76: {  	_ =	shalt  }
0x77: {  	_ =	shalt  }
0x78: {  	_ =	shalt  }
0x79: {  	_ =	shalt  }
0x7a: {  	_ =	shalt  }
0x7b: {  	_ =	shalt  }
0x7c: {  	_ =	shalt  }
0x7d: {  	_ =	shalt  }
0x7e: {  	_ =	shalt  }
0x7f: {  	_ =	shalt  }
0x80: {  	_ =	shalt  }
0x81: {  	_ =	shalt  }
0x82: {  	_ =	shalt  }
0x83: {  	_ =	shalt  }
0x84: {  	_ =	shalt  }
0x85: {  	_ =	shalt  }
0x86: {  	_ =	shalt  }
0x87: {  	_ =	shalt  }
.Lfunc_end0:
.L_simem_size_0:
called_computation.1_lowered:
.L_overlay_start_0:
0x88: {  	s2 =	sld [smem:$0x3FD9]  }
0x89: {  	s3 =	sld [smem:$0x3FFE];
	_ =	sdelay $0x1  }
0x8a: {  	s1 =	srdreg.scid  }
0x8b: {  	s0 =	sand.u32 $0x1, s1  }
0x8c: {  	s17 =	sshll.u32 s0, $0xA;
	s2 =	sadd.s32 s3, s2  }
0x8d: {  	s2 =	sadd.s32 s2, s17  }
0x8e: {  	[smem:$0x3FC6] =	sst s2  }
0x8f: {  	_ = 	snop  }
0x90: {  	s2 =	sld [smem:$0x3FD0];
	(tm) =	ssettm $0x1  }
0x91: {  	s18 =	sld [smem:$0x3FFB];
	_ =	sdelay $0x3  }
0x92: {  	_ =	strace s18  }
0x93: {  	s3 =	sld [smem:$0x3FFC];
	_ =	sdelay $0x3  }
0x94: {  	_ =	strace s3  }
0x95: {  	s3 =	sld [smem:$0x3FFD];
	_ =	sdelay $0x3  }
0x96: {  	_ =	strace s3  }
0x97: {  	_ =	strace $0x8FFFFFFF  }
0x98: {  	s19 =	sld [smem:$0x3FDB];
	_ =	sdelay $0x1  }
0x99: {  	s4 =	simm.s32 $_scs_section_size  }
0x9a: {  	s5 =	simm.s32 $_size__tile_overlayer_lowered;
	s6 =	simm.s32 $_tile_overlayer_lowered  }
0x9b: {  	s22 =	simm.s32 $0x1BFF;
	s21 =	sshll.u32 s6, $0x1;
	s3 =	sadd.s32 s4, s19  }
0x9c: {  	s7 =	simm.s32 $0x0;
	s20 =	sshll.u32 s5, $0x1;
	s5 =	sadd.s32 s21, s3  }
0x9d: {  	[timem:s7], [sflag:s22] =	dma.local [hbm:s5], s20  }
0x9e: {  	_ =	swait.ge [sflag:s22], s20  }
0x9f: {  	s4 =	ssub.s32 $0x0, s20;
	[sflag:s22] =	ssyncset.done $0x0  }
0xa0: {  	[sflag:s22] =	ssyncadd.s32 s4;
	_ =	sdelay $0x1  }
0xa1: {  	s23 =	simm.s32 $0x1B8B  }
0xa2: {  	_ =	swait.ge [sflag:s23], $0x1  }
0xa3: {  	[sflag:s23] =	ssyncset.done $0x0  }
0xa4: {  	s25 =	simm.s32 $0x1B8E;
	s24 =	sld [smem:$0x3FFE];
	[sflag:s23] =	ssyncadd.s32 $0xFFFFFFFF  }
0xa5: {  	s26 =	simm.s32 $execute0_lowered;
	[smem:$0x3FD2] =	sst s25  }
0xa6: {  	s5 =	sshll.u32 s26, $0x1;
	_ =	strace $0x80000046;
	[dreg:$0x1] =	wrdreg $0xFFFFFFFF  }
0xa7: {  	s28 =	simm.s32 $_size_execute0_lowered;
	s3 =	sadd.s32 s3, s5;
	[dreg:$0x0] =	wrdreg $0x0  }
0xa8: {  	s5 =	sshll.u32 s28, $0x1;
	[dreg:$0x2] =	wrdreg s3  }
0xa9: {  	[dreg:$0x3] =	wrdreg s5  }
0xaa: {  	[dreg:$0x4] =	wrdreg $0xC0  }
0xab: {  	_ =	task [dreg:s7], $0x5FFFF  }
0xac: {  	[dreg:$0x1] =	wrdreg $0xFFFFFFFF  }
0xad: {  	[dreg:$0x0] =	wrdreg $0x60  }
0xae: {  	[dreg:$0x2] =	wrdreg s24  }
0xaf: {  	[dreg:$0x3] =	wrdreg s2  }
0xb0: {  	[dreg:$0x4] =	wrdreg $0x9  }
0xb1: {  	_ =	task.clear_ibuf [dreg:s7], $0x5FFFF;
	_ =	strace $0x90000046  }
0xb2: {  	s29 =	simm.s32 $0x9;
	_ =	strace $0x80000048  }
0xb3: {  	_ =	swait.ge [sflag:s29], $0x1  }
0xb4: {  	[sflag:s29] =	ssyncadd.s32 $0xFFFFFFFF  }
0xb5: {  	_ =	strace $0x90000048  }
0xb6: {  	_ =	sfence  }
0xb7: {  	s30 =	sld [smem:$0x0];
	_ =	sdelay $0x2  }
0xb8: {  	s31 =	sshll.u32 s1, $0xD;
	s1 =	sshrl.u32 s1, $0x2  }
0xb9: {  	s3 =	sand.u32 $0x4000, s31;
	s1 =	sadd.s32 s1, s30  }
0xba: {  	s0 =	sor.u32 s3, s0;
	s1 =	sshll.u32 s1, $0x11  }
0xbb: {  	s0 =	sor.u32 s1, s0  }
0xbc: {  	s0 =	sadd.s32 $0x8F2B, s0  }
0xbd: {  	[sflag:s0] =	ssyncadd.remote.s32 $0x1  }
0xbe: {  	_ =	sfence.sel $0xFFFF  }
0xbf: {  	[dreg:$0x0] =	wrdreg $0xFFFFFFFF;
	(pc) =	sbr.abs _section_cstart, $3  }
0xc0: {  	[dreg:$0x1] =	wrdreg $0xFFFFFFFF  }
0xc1: {  	_ =	task.clear_ibuf [dreg:s7], $0x2FFFF;
	_ =	strace $0x9FFFFFFF  }
0xc2: {  	(tm) =	ssettm $0x7FFFFFFF  }
0xc3: {  	_ =	shalt  }
tec
execute0_lowered:
.L_overlay_start_1:
0x0: {  	(tag) =	ssettag $0x1  }
0x1: {  	s0 =	rddreg [dreg:$0x0]  }
0x2: {  	s1 =	srdreg.scid;
	s2 =	stileid.u32  }
0x3: {  	s5 =	rddreg [dreg:$0x1];
	s11 =	simm.s32 $0x9;
	s12 =	simm.s32 $0x80  }
0x4: {  	s19 =	simm.s32 $0x1;
	s20 =	simm.s32 $0x40;
	s21 =	simm.s32 $0xE400  }
0x5: {  	s22 =	simm.s32 $0x2;
	s23 =	simm.s32 $0x10400;
	s24 =	simm.s32 $0x3  }
0x6: {  	s25 =	simm.s32 $0x12400;
	s28 =	simm.s32 $0x14400;
	s29 =	simm.s32 $0x5  }
0x7: {  	s30 =	simm.s32 $0x6;
	s31 =	simm.s32 $0x7;
	s1 =	sand.u32 $0x1, s1  }
0x8: {  	s3 =	sshll.u32 s2, $0x1;
	s2 =	simm.s32 $0x0;
	s4 =	sadd.s32 $0xA00, s0  }
0x9: {  	s6 =	sor.u32 s1, s3;
	[smem:$0x7FF] =	sst s2;
	s1 =	ssub.s32 $0x2, s1  }
0xa: {  	s3 =	sadd.s32 $0xF42E00, s0;
	s0 =	simm.s32 $0x0;
	s9 =	smul.u32 $0x6400, s6  }
0xb: {  	_ =	strace $0x80000047;
	s7 =	sshrl.u32 s1, $0x1;
	s6 =	smul.u32 $0x320000, s6  }
0xc: {  	s26 =	ssub.s32 s1, s7;
	s1 =	simm.s32 $0x8;
	s8 =	sshrl.u32 s9, $0x3  }
0xd: {  	s7 =	sor.u32 $0x80, s9;
	s10 =	smax.u32 s26, $0x1;
	s26 =	simm.s32 $0x4  }
0xe: {  	s5 =	sadd.s32 s5, s8;
	s8 =	sor.u32 $0x100, s9;
	s9 =	sor.u32 $0x180, s9  }
.LBB2_1:
0xf: {  	[tilespmem:s2], [sflag:$0x9] =	stream.linear.gather [hbm4b:s5+s2], $0x6400, $0x38;
	[tilespmem:$0x16400] =	vst v63  }
0x10: {  	_ =	swait.ge [sflag:s11], $0x6400  }
0x11: {  	[sflag:s11] =	ssyncset.done $0x0  }
0x12: {  	s13 =	simm.s32 $0x6400;
	[sflag:s11] =	ssyncadd.s32 $0xFFFF9C00  }
0x13: {  	[tilespmem:s13], [sflag:$0x1] =	stream.indirect.gather [hbm4b:s3+s12], $0x40, s2, s12, $0xb8;
	[tilespmem:$0x16400] =	vst v63  }
0x14: {  	s15 =	simm.s32 $0x8400  }
0x15: {  	[tilespmem:s15], [sflag:$0x2] =	stream.indirect.gather [hbm4b:s3+s12], $0x40, s12, s12, $0xb8;
	[tilespmem:$0x16400] =	vst v63  }
0x16: {  	s16 =	simm.s32 $0x100;
	s14 =	simm.s32 $0xA400  }
0x17: {  	[tilespmem:s14], [sflag:$0x3] =	stream.indirect.gather [hbm4b:s3+s12], $0x40, s16, s12, $0xb8;
	[tilespmem:$0x16400] =	vst v63  }
0x18: {  	s17 =	simm.s32 $0x180;
	s18 =	simm.s32 $0xC400;
	s13 =	simm.s32 $0x0  }
0x19: {  	[tilespmem:s18], [sflag:$0x4] =	stream.indirect.gather [hbm4b:s3+s12], $0x40, s17, s12, $0xb8;
	[tilespmem:$0x16400] =	vst v63  }
.LBB2_2:
0x1a: {  	_ =	swait.ge [sflag:s19], $0x2000  }
0x1b: {  	p1 =	seq.s32 s13, $0x0;
	[sflag:s19] =	ssyncset.done $0x0  }
0x1c: {  	s14 =	simm.s32 @!p1 $0x5;
	[sflag:s19] =	ssyncadd.s32 $0xFFFFE000  }
0x1d: {  	_ =	swait.ge @!p1 [sflag:s14], $0x2000  }
0x1e: {  	[sflag:s14] =	ssyncset.done @!p1 $0x0  }
0x1f: {  	s15 =	simm.s32 $0x0;
	[sflag:s14] =	ssyncadd.s32 @!p1 $0xFFFFE000  }
0x20: {  	v0 =	vld [tilespmem:s15+$0x64F0]  }
0x21: {  	v1 =	vld [tilespmem:s15+$0x6400]  }
0x22: {  	v2 =	vld [tilespmem:s15+$0x6410]  }
0x23: {  	v3 =	vld [tilespmem:s15+$0x6420]  }
0x24: {  	v6 =	vld [tilespmem:s15+$0x6450]  }
0x25: {  	v4 =	vld [tilespmem:s15+$0x6430];
	v0 =	vmul.f32 $8.000000000e+00, v0  }
0x26: {  	v5 =	vld [tilespmem:s15+$0x6440];
	v1 =	vmul.f32 $8.000000000e+00, v1  }
0x27: {  	v7 =	vld [tilespmem:s15+$0x6460];
	[tilespmem:s15+$0xE4F0] =	vst v0;
	v0 =	vmul.f32 $8.000000000e+00, v2  }
0x28: {  	v8 =	vld [tilespmem:s15+$0x6470];
	[tilespmem:s15+$0xE400] =	vst v1;
	v1 =	vmul.f32 $8.000000000e+00, v3  }
0x29: {  	v2 =	vmul.f32 $8.000000000e+00, v6;
	[tilespmem:s15+$0xE410] =	vst v0  }
0x2a: {  	v9 =	vld [tilespmem:s15+$0x6480];
	v0 =	vmul.f32 $8.000000000e+00, v4;
	[tilespmem:s15+$0xE420] =	vst v1  }
0x2b: {  	v4 =	vld [tilespmem:s15+$0x6490];
	v1 =	vmul.f32 $8.000000000e+00, v5;
	[tilespmem:s15+$0xE450] =	vst v2  }
0x2c: {  	v3 =	vmul.f32 $8.000000000e+00, v7;
	[tilespmem:s15+$0xE430] =	vst v0;
	v0 =	vld [tilespmem:s15+$0x64A0]  }
0x2d: {  	v5 =	vmul.f32 $8.000000000e+00, v8;
	[tilespmem:s15+$0xE440] =	vst v1;
	v1 =	vld [tilespmem:s15+$0x64B0]  }
0x2e: {  	v2 =	vld [tilespmem:s15+$0x64C0];
	[tilespmem:s15+$0xE460] =	vst v3  }
0x2f: {  	v3 =	vld [tilespmem:s15+$0x64D0];
	[tilespmem:s15+$0xE470] =	vst v5;
	v5 =	vmul.f32 $8.000000000e+00, v9  }
0x30: {  	s16 =	simm.s32 $0x100;
	s17 =	simm.s32 $0x800;
	s14 =	sshll.u32 s13, $0x9;
	v6 =	vmul.f32 $8.000000000e+00, v4;
	v4 =	vld [tilespmem:s15+$0x64E0]  }
.LBB2_3:
0x31: {  	p0 =	sne.s32 s17, $0x7C00;
	v7 =	vld [tilespmem:s16+$0x64F0];
	[tilespmem:s15+$0xE480] =	vst v5;
	v0 =	vmul.f32 $8.000000000e+00, v0  }
0x32: {  	v5 =	vld [tilespmem:s16+$0x6400];
	[tilespmem:s15+$0xE490] =	vst v6;
	v1 =	vmul.f32 $8.000000000e+00, v1  }
0x33: {  	v6 =	vld [tilespmem:s16+$0x6410];
	[tilespmem:s15+$0xE4A0] =	vst v0;
	v0 =	vmul.f32 $8.000000000e+00, v2  }
0x34: {  	v2 =	vld [tilespmem:s16+$0x6420];
	[tilespmem:s15+$0xE4B0] =	vst v1;
	v1 =	vmul.f32 $8.000000000e+00, v3  }
0x35: {  	v3 =	vld [tilespmem:s16+$0x6430];
	[tilespmem:s15+$0xE4C0] =	vst v0;
	v0 =	vmul.f32 $8.000000000e+00, v4  }
0x36: {  	v4 =	vld [tilespmem:s16+$0x6440];
	v7 =	vmul.f32 $8.000000000e+00, v7;
	[tilespmem:s15+$0xE4D0] =	vst v1  }
0x37: {  	v1 =	vmul.f32 $8.000000000e+00, v5;
	v5 =	vld [tilespmem:s16+$0x6450];
	[tilespmem:s15+$0xE4E0] =	vst v0;
	s15 =	smov.u32 s16  }
0x38: {  	v0 =	vmul.f32 $8.000000000e+00, v6;
	v6 =	vld [tilespmem:s15+$0x6460];
	[tilespmem:s15+$0xE4F0] =	vst v7  }
0x39: {  	[tilespmem:s15+$0xE400] =	vst v1;
	v1 =	vmul.f32 $8.000000000e+00, v2;
	v2 =	vld [tilespmem:s15+$0x6470]  }
0x3a: {  	[tilespmem:s15+$0xE410] =	vst v0;
	v0 =	vmul.f32 $8.000000000e+00, v3;
	v3 =	vld [tilespmem:s15+$0x6480]  }
0x3b: {  	[tilespmem:s15+$0xE420] =	vst v1;
	v1 =	vmul.f32 $8.000000000e+00, v4;
	v4 =	vld [tilespmem:s15+$0x6490]  }
.Ltmp0:
0x3c: {  	[tilespmem:s15+$0xE430] =	vst v0;
	v5 =	vmul.f32 $8.000000000e+00, v5;
	v0 =	vld [tilespmem:s15+$0x64A0];
	(pc) =	sbr.rel @p0 .LBB2_3-.Ltmp0, $4  }
0x3d: {  	[tilespmem:s15+$0xE440] =	vst v1;
	v6 =	vmul.f32 $8.000000000e+00, v6;
	v1 =	vld [tilespmem:s15+$0x64B0]  }
0x3e: {  	[tilespmem:s15+$0xE450] =	vst v5;
	v7 =	vmul.f32 $8.000000000e+00, v2;
	v2 =	vld [tilespmem:s15+$0x64C0]  }
0x3f: {  	[tilespmem:s15+$0xE460] =	vst v6;
	v5 =	vmul.f32 $8.000000000e+00, v3;
	v3 =	vld [tilespmem:s15+$0x64D0]  }
0x40: {  	s16 =	sshra.s32 s17, $0x2;
	s17 =	sadd.s32 $0x400, s17;
	[tilespmem:s15+$0xE470] =	vst v7;
	v6 =	vmul.f32 $8.000000000e+00, v4;
	v4 =	vld [tilespmem:s15+$0x64E0]  }
0x41: {  	v7 =	vld [tilespmem:s16+$0x64F0];
	[tilespmem:s15+$0xE480] =	vst v5;
	v0 =	vmul.f32 $8.000000000e+00, v0  }
0x42: {  	v5 =	vld [tilespmem:s16+$0x6400];
	[tilespmem:s15+$0xE490] =	vst v6;
	v1 =	vmul.f32 $8.000000000e+00, v1  }
0x43: {  	v6 =	vld [tilespmem:s16+$0x6410];
	[tilespmem:s15+$0xE4A0] =	vst v0;
	v2 =	vmul.f32 $8.000000000e+00, v2  }
0x44: {  	v0 =	vld [tilespmem:s16+$0x6420];
	[tilespmem:s15+$0xE4B0] =	vst v1;
	v3 =	vmul.f32 $8.000000000e+00, v3  }
0x45: {  	v1 =	vld [tilespmem:s16+$0x6430];
	[tilespmem:s15+$0xE4C0] =	vst v2;
	v4 =	vmul.f32 $8.000000000e+00, v4  }
0x46: {  	v2 =	vld [tilespmem:s16+$0x6440];
	[tilespmem:s15+$0xE4D0] =	vst v3;
	v7 =	vmul.f32 $8.000000000e+00, v7  }
0x47: {  	v3 =	vld [tilespmem:s16+$0x6450];
	[tilespmem:s15+$0xE4E0] =	vst v4;
	v4 =	vmul.f32 $8.000000000e+00, v5  }
0x48: {  	v5 =	vld [tilespmem:s16+$0x6460];
	[tilespmem:s16+$0xE4F0] =	vst v7;
	v6 =	vmul.f32 $8.000000000e+00, v6  }
0x49: {  	[tilespmem:s16+$0xE400] =	vst v4;
	v4 =	vld [tilespmem:s16+$0x6470];
	v0 =	vmul.f32 $8.000000000e+00, v0  }
0x4a: {  	[tilespmem:s16+$0xE410] =	vst v6;
	v6 =	vld [tilespmem:s16+$0x6480];
	v1 =	vmul.f32 $8.000000000e+00, v1  }
0x4b: {  	[tilespmem:s16+$0xE420] =	vst v0;
	v0 =	vld [tilespmem:s16+$0x6490];
	v2 =	vmul.f32 $8.000000000e+00, v2  }
0x4c: {  	[tilespmem:s16+$0xE430] =	vst v1;
	v1 =	vld [tilespmem:s16+$0x64A0];
	v3 =	vmul.f32 $8.000000000e+00, v3  }
0x4d: {  	[tilespmem:s16+$0xE440] =	vst v2;
	v2 =	vld [tilespmem:s16+$0x64B0];
	v5 =	vmul.f32 $8.000000000e+00, v5  }
0x4e: {  	[tilespmem:s16+$0xE450] =	vst v3;
	v3 =	vld [tilespmem:s16+$0x64C0];
	v4 =	vmul.f32 $8.000000000e+00, v4  }
0x4f: {  	[tilespmem:s16+$0xE460] =	vst v5;
	v5 =	vld [tilespmem:s16+$0x64D0];
	v6 =	vmul.f32 $8.000000000e+00, v6  }
0x50: {  	[tilespmem:s16+$0xE470] =	vst v4;
	v0 =	vmul.f32 $8.000000000e+00, v0;
	v4 =	vld [tilespmem:s16+$0x64E0]  }
0x51: {  	[tilespmem:s16+$0xE480] =	vst v6;
	v1 =	vmul.f32 $8.000000000e+00, v1  }
0x52: {  	[tilespmem:s16+$0xE490] =	vst v0;
	v0 =	vmul.f32 $8.000000000e+00, v2  }
0x53: {  	[tilespmem:s16+$0xE4A0] =	vst v1;
	v1 =	vmul.f32 $8.000000000e+00, v3  }
0x54: {  	p0 =	seq.s32 s13, $0x31;
	[tilespmem:s16+$0xE4B0] =	vst v0;
	v0 =	vmul.f32 $8.000000000e+00, v5  }
0x55: {  	s15 =	sshll.u32 @!p0 s13, $0x9;
	[tilespmem:s16+$0xE4C0] =	vst v1;
	v1 =	vmul.f32 $8.000000000e+00, v4  }
0x56: {  	s15 =	sand.u32 @!p0 $0x3FFFFE00, s15;
	[tilespmem:s16+$0xE4D0] =	vst v0  }
0x57: {  	s17 =	simm.s32 @!p0 $0x80;
	s18 =	simm.s32 @!p0 $0x6400;
	[tilespmem:s16+$0xE4E0] =	vst v1;
	s16 =	sadd.s32 @!p0 $0x200, s15  }
0x58: {  	[tilespmem:s18], [sflag:$0x1] =	stream.indirect.gather @!p0 [hbm4b:s3+s17], $0x40, s16, s17, $0xb8;
	[tilespmem:$0x16400] =	vst v63  }
0x59: {  	s18 =	sshll.u32 s13, $0x10  }
0x5a: {  	s16 =	sadd.s32 s6, s18  }
0x5b: {  	s16 =	sshrl.u32 s16, $0x3  }
0x5c: {  	s16 =	sadd.s32 s4, s16  }
0x5d: {  	[hbm4b:s16+s20] =	stream.strided.scatter [tilespmem:s21], [sflag:$0x5], $0x2000, s12, s20, $0x38;
	[tilespmem:$0x16400] =	vst v63  }
0x5e: {  	_ =	swait.ge [sflag:s22], $0x2000  }
0x5f: {  	[sflag:s22] =	ssyncset.done $0x0  }
0x60: {  	s16 =	simm.s32 @!p1 $0x6;
	[sflag:s22] =	ssyncadd.s32 $0xFFFFE000  }
0x61: {  	_ =	swait.ge @!p1 [sflag:s16], $0x2000  }
0x62: {  	[sflag:s16] =	ssyncset.done @!p1 $0x0  }
0x63: {  	[sflag:s16] =	ssyncadd.s32 @!p1 $0xFFFFE000;
	s16 =	simm.s32 $0x0  }
0x64: {  	v0 =	vld [tilespmem:s16+$0x84F0]  }
0x65: {  	v1 =	vld [tilespmem:s16+$0x8400]  }
0x66: {  	v2 =	vld [tilespmem:s16+$0x8410]  }
0x67: {  	v3 =	vld [tilespmem:s16+$0x8420]  }
0x68: {  	v6 =	vld [tilespmem:s16+$0x8450]  }
0x69: {  	v4 =	vld [tilespmem:s16+$0x8430];
	v0 =	vmul.f32 $8.000000000e+00, v0  }
0x6a: {  	v5 =	vld [tilespmem:s16+$0x8440];
	v1 =	vmul.f32 $8.000000000e+00, v1  }
0x6b: {  	v7 =	vld [tilespmem:s16+$0x8460];
	[tilespmem:s16+$0x104F0] =	vst v0;
	v0 =	vmul.f32 $8.000000000e+00, v2  }
0x6c: {  	v8 =	vld [tilespmem:s16+$0x8470];
	[tilespmem:s16+$0x10400] =	vst v1;
	v1 =	vmul.f32 $8.000000000e+00, v3  }
0x6d: {  	v2 =	vmul.f32 $8.000000000e+00, v6;
	[tilespmem:s16+$0x10410] =	vst v0  }
0x6e: {  	v9 =	vld [tilespmem:s16+$0x8480];
	v0 =	vmul.f32 $8.000000000e+00, v4;
	[tilespmem:s16+$0x10420] =	vst v1  }
0x6f: {  	v4 =	vld [tilespmem:s16+$0x8490];
	v1 =	vmul.f32 $8.000000000e+00, v5;
	[tilespmem:s16+$0x10450] =	vst v2  }
0x70: {  	v3 =	vmul.f32 $8.000000000e+00, v7;
	[tilespmem:s16+$0x10430] =	vst v0;
	v0 =	vld [tilespmem:s16+$0x84A0]  }
0x71: {  	v5 =	vmul.f32 $8.000000000e+00, v8;
	[tilespmem:s16+$0x10440] =	vst v1;
	v1 =	vld [tilespmem:s16+$0x84B0]  }
0x72: {  	v2 =	vld [tilespmem:s16+$0x84C0];
	[tilespmem:s16+$0x10460] =	vst v3  }
0x73: {  	v3 =	vld [tilespmem:s16+$0x84D0];
	[tilespmem:s16+$0x10470] =	vst v5;
	v5 =	vmul.f32 $8.000000000e+00, v9  }
0x74: {  	s17 =	simm.s32 $0x100;
	s18 =	simm.s32 $0x800;
	v6 =	vmul.f32 $8.000000000e+00, v4;
	v4 =	vld [tilespmem:s16+$0x84E0]  }
.LBB2_5:
0x75: {  	p2 =	sne.s32 s18, $0x7C00;
	v7 =	vld [tilespmem:s17+$0x84F0];
	[tilespmem:s16+$0x10480] =	vst v5;
	v0 =	vmul.f32 $8.000000000e+00, v0  }
0x76: {  	v5 =	vld [tilespmem:s17+$0x8400];
	[tilespmem:s16+$0x10490] =	vst v6;
	v1 =	vmul.f32 $8.000000000e+00, v1  }
0x77: {  	v6 =	vld [tilespmem:s17+$0x8410];
	[tilespmem:s16+$0x104A0] =	vst v0;
	v0 =	vmul.f32 $8.000000000e+00, v2  }
0x78: {  	v2 =	vld [tilespmem:s17+$0x8420];
	[tilespmem:s16+$0x104B0] =	vst v1;
	v1 =	vmul.f32 $8.000000000e+00, v3  }
0x79: {  	v3 =	vld [tilespmem:s17+$0x8430];
	[tilespmem:s16+$0x104C0] =	vst v0;
	v0 =	vmul.f32 $8.000000000e+00, v4  }
0x7a: {  	v4 =	vld [tilespmem:s17+$0x8440];
	v7 =	vmul.f32 $8.000000000e+00, v7;
	[tilespmem:s16+$0x104D0] =	vst v1  }
0x7b: {  	v1 =	vmul.f32 $8.000000000e+00, v5;
	v5 =	vld [tilespmem:s17+$0x8450];
	[tilespmem:s16+$0x104E0] =	vst v0;
	s16 =	smov.u32 s17  }
0x7c: {  	v0 =	vmul.f32 $8.000000000e+00, v6;
	v6 =	vld [tilespmem:s16+$0x8460];
	[tilespmem:s16+$0x104F0] =	vst v7  }
0x7d: {  	[tilespmem:s16+$0x10400] =	vst v1;
	v1 =	vmul.f32 $8.000000000e+00, v2;
	v2 =	vld [tilespmem:s16+$0x8470]  }
0x7e: {  	[tilespmem:s16+$0x10410] =	vst v0;
	v0 =	vmul.f32 $8.000000000e+00, v3;
	v3 =	vld [tilespmem:s16+$0x8480]  }
0x7f: {  	[tilespmem:s16+$0x10420] =	vst v1;
	v1 =	vmul.f32 $8.000000000e+00, v4;
	v4 =	vld [tilespmem:s16+$0x8490]  }
.Ltmp1:
0x80: {  	[tilespmem:s16+$0x10430] =	vst v0;
	v5 =	vmul.f32 $8.000000000e+00, v5;
	v0 =	vld [tilespmem:s16+$0x84A0];
	(pc) =	sbr.rel @p2 .LBB2_5-.Ltmp1, $4  }
0x81: {  	[tilespmem:s16+$0x10440] =	vst v1;
	v6 =	vmul.f32 $8.000000000e+00, v6;
	v1 =	vld [tilespmem:s16+$0x84B0]  }
0x82: {  	[tilespmem:s16+$0x10450] =	vst v5;
	v7 =	vmul.f32 $8.000000000e+00, v2;
	v2 =	vld [tilespmem:s16+$0x84C0]  }
0x83: {  	[tilespmem:s16+$0x10460] =	vst v6;
	v5 =	vmul.f32 $8.000000000e+00, v3;
	v3 =	vld [tilespmem:s16+$0x84D0]  }
0x84: {  	s17 =	sshra.s32 s18, $0x2;
	s18 =	sadd.s32 $0x400, s18;
	[tilespmem:s16+$0x10470] =	vst v7;
	v6 =	vmul.f32 $8.000000000e+00, v4;
	v4 =	vld [tilespmem:s16+$0x84E0]  }
0x85: {  	v7 =	vld [tilespmem:s17+$0x84F0];
	[tilespmem:s16+$0x10480] =	vst v5;
	v0 =	vmul.f32 $8.000000000e+00, v0  }
0x86: {  	v5 =	vld [tilespmem:s17+$0x8400];
	[tilespmem:s16+$0x10490] =	vst v6;
	v1 =	vmul.f32 $8.000000000e+00, v1  }
0x87: {  	v6 =	vld [tilespmem:s17+$0x8410];
	[tilespmem:s16+$0x104A0] =	vst v0;
	v2 =	vmul.f32 $8.000000000e+00, v2  }
0x88: {  	v0 =	vld [tilespmem:s17+$0x8420];
	[tilespmem:s16+$0x104B0] =	vst v1;
	v3 =	vmul.f32 $8.000000000e+00, v3  }
0x89: {  	v1 =	vld [tilespmem:s17+$0x8430];
	[tilespmem:s16+$0x104C0] =	vst v2;
	v4 =	vmul.f32 $8.000000000e+00, v4  }
0x8a: {  	v2 =	vld [tilespmem:s17+$0x8440];
	[tilespmem:s16+$0x104D0] =	vst v3;
	v7 =	vmul.f32 $8.000000000e+00, v7  }
0x8b: {  	v3 =	vld [tilespmem:s17+$0x8450];
	[tilespmem:s16+$0x104E0] =	vst v4;
	v4 =	vmul.f32 $8.000000000e+00, v5  }
0x8c: {  	v5 =	vld [tilespmem:s17+$0x8460];
	[tilespmem:s17+$0x104F0] =	vst v7;
	v6 =	vmul.f32 $8.000000000e+00, v6  }
0x8d: {  	[tilespmem:s17+$0x10400] =	vst v4;
	v4 =	vld [tilespmem:s17+$0x8470];
	v0 =	vmul.f32 $8.000000000e+00, v0  }
0x8e: {  	[tilespmem:s17+$0x10410] =	vst v6;
	v6 =	vld [tilespmem:s17+$0x8480];
	v1 =	vmul.f32 $8.000000000e+00, v1  }
0x8f: {  	[tilespmem:s17+$0x10420] =	vst v0;
	v0 =	vld [tilespmem:s17+$0x8490];
	v2 =	vmul.f32 $8.000000000e+00, v2  }
0x90: {  	[tilespmem:s17+$0x10430] =	vst v1;
	v1 =	vld [tilespmem:s17+$0x84A0];
	v3 =	vmul.f32 $8.000000000e+00, v3  }
0x91: {  	[tilespmem:s17+$0x10440] =	vst v2;
	v2 =	vld [tilespmem:s17+$0x84B0];
	v5 =	vmul.f32 $8.000000000e+00, v5  }
0x92: {  	[tilespmem:s17+$0x10450] =	vst v3;
	v3 =	vld [tilespmem:s17+$0x84C0];
	v4 =	vmul.f32 $8.000000000e+00, v4  }
0x93: {  	[tilespmem:s17+$0x10460] =	vst v5;
	v5 =	vld [tilespmem:s17+$0x84D0];
	v6 =	vmul.f32 $8.000000000e+00, v6  }
0x94: {  	[tilespmem:s17+$0x10470] =	vst v4;
	v0 =	vmul.f32 $8.000000000e+00, v0;
	v4 =	vld [tilespmem:s17+$0x84E0]  }
0x95: {  	[tilespmem:s17+$0x10480] =	vst v6;
	v1 =	vmul.f32 $8.000000000e+00, v1  }
0x96: {  	[tilespmem:s17+$0x10490] =	vst v0;
	v0 =	vmul.f32 $8.000000000e+00, v2  }
0x97: {  	[tilespmem:s17+$0x104A0] =	vst v1;
	v1 =	vmul.f32 $8.000000000e+00, v3  }
0x98: {  	[tilespmem:s17+$0x104B0] =	vst v0;
	v0 =	vmul.f32 $8.000000000e+00, v5  }
0x99: {  	[tilespmem:s17+$0x104C0] =	vst v1;
	v1 =	vmul.f32 $8.000000000e+00, v4  }
0x9a: {  	[tilespmem:s17+$0x104D0] =	vst v0  }
0x9b: {  	s18 =	simm.s32 @!p0 $0x8400;
	s16 =	sadd.s32 @!p0 $0x280, s15;
	[tilespmem:s17+$0x104E0] =	vst v1;
	s17 =	simm.s32 @!p0 $0x80  }
0x9c: {  	[tilespmem:s18], [sflag:$0x2] =	stream.indirect.gather @!p0 [hbm4b:s3+s17], $0x40, s16, s17, $0xb8;
	[tilespmem:$0x16400] =	vst v63  }
0x9d: {  	s18 =	sadd.s32 s14, s7  }
0x9e: {  	s16 =	sshll.u32 s18, $0x4  }
0x9f: {  	s16 =	sand.u32 $0x1FFFE800, s16  }
0xa0: {  	s16 =	sadd.s32 s4, s16  }
0xa1: {  	[hbm4b:s16+s20] =	stream.strided.scatter [tilespmem:s23], [sflag:$0x6], $0x2000, s12, s20, $0x38;
	[tilespmem:$0x16400] =	vst v63  }
0xa2: {  	_ =	swait.ge [sflag:s24], $0x2000  }
0xa3: {  	[sflag:s24] =	ssyncset.done $0x0  }
0xa4: {  	s16 =	simm.s32 @!p1 $0x7;
	[sflag:s24] =	ssyncadd.s32 $0xFFFFE000  }
0xa5: {  	_ =	swait.ge @!p1 [sflag:s16], $0x2000  }
0xa6: {  	[sflag:s16] =	ssyncset.done @!p1 $0x0  }
0xa7: {  	[sflag:s16] =	ssyncadd.s32 @!p1 $0xFFFFE000;
	s16 =	simm.s32 $0x0  }
0xa8: {  	v0 =	vld [tilespmem:s16+$0xA4F0]  }
0xa9: {  	v1 =	vld [tilespmem:s16+$0xA400]  }
0xaa: {  	v2 =	vld [tilespmem:s16+$0xA410]  }
0xab: {  	v3 =	vld [tilespmem:s16+$0xA420]  }
0xac: {  	v6 =	vld [tilespmem:s16+$0xA450]  }
0xad: {  	v4 =	vld [tilespmem:s16+$0xA430];
	v0 =	vmul.f32 $8.000000000e+00, v0  }
0xae: {  	v5 =	vld [tilespmem:s16+$0xA440];
	v1 =	vmul.f32 $8.000000000e+00, v1  }
0xaf: {  	v7 =	vld [tilespmem:s16+$0xA460];
	[tilespmem:s16+$0x124F0] =	vst v0;
	v0 =	vmul.f32 $8.000000000e+00, v2  }
0xb0: {  	v8 =	vld [tilespmem:s16+$0xA470];
	[tilespmem:s16+$0x12400] =	vst v1;
	v1 =	vmul.f32 $8.000000000e+00, v3  }
0xb1: {  	v2 =	vmul.f32 $8.000000000e+00, v6;
	[tilespmem:s16+$0x12410] =	vst v0  }
0xb2: {  	v9 =	vld [tilespmem:s16+$0xA480];
	v0 =	vmul.f32 $8.000000000e+00, v4;
	[tilespmem:s16+$0x12420] =	vst v1  }
0xb3: {  	v4 =	vld [tilespmem:s16+$0xA490];
	v1 =	vmul.f32 $8.000000000e+00, v5;
	[tilespmem:s16+$0x12450] =	vst v2  }
0xb4: {  	v3 =	vmul.f32 $8.000000000e+00, v7;
	[tilespmem:s16+$0x12430] =	vst v0;
	v0 =	vld [tilespmem:s16+$0xA4A0]  }
0xb5: {  	v5 =	vmul.f32 $8.000000000e+00, v8;
	[tilespmem:s16+$0x12440] =	vst v1;
	v1 =	vld [tilespmem:s16+$0xA4B0]  }
0xb6: {  	v2 =	vld [tilespmem:s16+$0xA4C0];
	[tilespmem:s16+$0x12460] =	vst v3  }
0xb7: {  	v3 =	vld [tilespmem:s16+$0xA4D0];
	[tilespmem:s16+$0x12470] =	vst v5;
	v5 =	vmul.f32 $8.000000000e+00, v9  }
0xb8: {  	s17 =	simm.s32 $0x100;
	s18 =	simm.s32 $0x800;
	v6 =	vmul.f32 $8.000000000e+00, v4;
	v4 =	vld [tilespmem:s16+$0xA4E0]  }
.LBB2_7:
0xb9: {  	p2 =	sne.s32 s18, $0x7C00;
	v7 =	vld [tilespmem:s17+$0xA4F0];
	[tilespmem:s16+$0x12480] =	vst v5;
	v0 =	vmul.f32 $8.000000000e+00, v0  }
0xba: {  	v5 =	vld [tilespmem:s17+$0xA400];
	[tilespmem:s16+$0x12490] =	vst v6;
	v1 =	vmul.f32 $8.000000000e+00, v1  }
0xbb: {  	v6 =	vld [tilespmem:s17+$0xA410];
	[tilespmem:s16+$0x124A0] =	vst v0;
	v0 =	vmul.f32 $8.000000000e+00, v2  }
0xbc: {  	v2 =	vld [tilespmem:s17+$0xA420];
	[tilespmem:s16+$0x124B0] =	vst v1;
	v1 =	vmul.f32 $8.000000000e+00, v3  }
0xbd: {  	v3 =	vld [tilespmem:s17+$0xA430];
	[tilespmem:s16+$0x124C0] =	vst v0;
	v0 =	vmul.f32 $8.000000000e+00, v4  }
0xbe: {  	v4 =	vld [tilespmem:s17+$0xA440];
	v7 =	vmul.f32 $8.000000000e+00, v7;
	[tilespmem:s16+$0x124D0] =	vst v1  }
0xbf: {  	v1 =	vmul.f32 $8.000000000e+00, v5;
	v5 =	vld [tilespmem:s17+$0xA450];
	[tilespmem:s16+$0x124E0] =	vst v0;
	s16 =	smov.u32 s17  }
0xc0: {  	v0 =	vmul.f32 $8.000000000e+00, v6;
	v6 =	vld [tilespmem:s16+$0xA460];
	[tilespmem:s16+$0x124F0] =	vst v7  }
0xc1: {  	[tilespmem:s16+$0x12400] =	vst v1;
	v1 =	vmul.f32 $8.000000000e+00, v2;
	v2 =	vld [tilespmem:s16+$0xA470]  }
0xc2: {  	[tilespmem:s16+$0x12410] =	vst v0;
	v0 =	vmul.f32 $8.000000000e+00, v3;
	v3 =	vld [tilespmem:s16+$0xA480]  }
0xc3: {  	[tilespmem:s16+$0x12420] =	vst v1;
	v1 =	vmul.f32 $8.000000000e+00, v4;
	v4 =	vld [tilespmem:s16+$0xA490]  }
.Ltmp2:
0xc4: {  	[tilespmem:s16+$0x12430] =	vst v0;
	v5 =	vmul.f32 $8.000000000e+00, v5;
	v0 =	vld [tilespmem:s16+$0xA4A0];
	(pc) =	sbr.rel @p2 .LBB2_7-.Ltmp2, $4  }
0xc5: {  	[tilespmem:s16+$0x12440] =	vst v1;
	v6 =	vmul.f32 $8.000000000e+00, v6;
	v1 =	vld [tilespmem:s16+$0xA4B0]  }
0xc6: {  	[tilespmem:s16+$0x12450] =	vst v5;
	v7 =	vmul.f32 $8.000000000e+00, v2;
	v2 =	vld [tilespmem:s16+$0xA4C0]  }
0xc7: {  	[tilespmem:s16+$0x12460] =	vst v6;
	v5 =	vmul.f32 $8.000000000e+00, v3;
	v3 =	vld [tilespmem:s16+$0xA4D0]  }
0xc8: {  	s17 =	sshra.s32 s18, $0x2;
	s18 =	sadd.s32 $0x400, s18;
	[tilespmem:s16+$0x12470] =	vst v7;
	v6 =	vmul.f32 $8.000000000e+00, v4;
	v4 =	vld [tilespmem:s16+$0xA4E0]  }
0xc9: {  	v7 =	vld [tilespmem:s17+$0xA4F0];
	[tilespmem:s16+$0x12480] =	vst v5;
	v0 =	vmul.f32 $8.000000000e+00, v0  }
0xca: {  	v5 =	vld [tilespmem:s17+$0xA400];
	[tilespmem:s16+$0x12490] =	vst v6;
	v1 =	vmul.f32 $8.000000000e+00, v1  }
0xcb: {  	v6 =	vld [tilespmem:s17+$0xA410];
	[tilespmem:s16+$0x124A0] =	vst v0;
	v2 =	vmul.f32 $8.000000000e+00, v2  }
0xcc: {  	v0 =	vld [tilespmem:s17+$0xA420];
	[tilespmem:s16+$0x124B0] =	vst v1;
	v3 =	vmul.f32 $8.000000000e+00, v3  }
0xcd: {  	v1 =	vld [tilespmem:s17+$0xA430];
	[tilespmem:s16+$0x124C0] =	vst v2;
	v4 =	vmul.f32 $8.000000000e+00, v4  }
0xce: {  	v2 =	vld [tilespmem:s17+$0xA440];
	[tilespmem:s16+$0x124D0] =	vst v3;
	v7 =	vmul.f32 $8.000000000e+00, v7  }
0xcf: {  	v3 =	vld [tilespmem:s17+$0xA450];
	[tilespmem:s16+$0x124E0] =	vst v4;
	v4 =	vmul.f32 $8.000000000e+00, v5  }
0xd0: {  	v5 =	vld [tilespmem:s17+$0xA460];
	[tilespmem:s17+$0x124F0] =	vst v7;
	v6 =	vmul.f32 $8.000000000e+00, v6  }
0xd1: {  	[tilespmem:s17+$0x12400] =	vst v4;
	v4 =	vld [tilespmem:s17+$0xA470];
	v0 =	vmul.f32 $8.000000000e+00, v0  }
0xd2: {  	[tilespmem:s17+$0x12410] =	vst v6;
	v6 =	vld [tilespmem:s17+$0xA480];
	v1 =	vmul.f32 $8.000000000e+00, v1  }
0xd3: {  	[tilespmem:s17+$0x12420] =	vst v0;
	v0 =	vld [tilespmem:s17+$0xA490];
	v2 =	vmul.f32 $8.000000000e+00, v2  }
0xd4: {  	[tilespmem:s17+$0x12430] =	vst v1;
	v1 =	vld [tilespmem:s17+$0xA4A0];
	v3 =	vmul.f32 $8.000000000e+00, v3  }
0xd5: {  	[tilespmem:s17+$0x12440] =	vst v2;
	v2 =	vld [tilespmem:s17+$0xA4B0];
	v5 =	vmul.f32 $8.000000000e+00, v5  }
0xd6: {  	[tilespmem:s17+$0x12450] =	vst v3;
	v3 =	vld [tilespmem:s17+$0xA4C0];
	v4 =	vmul.f32 $8.000000000e+00, v4  }
0xd7: {  	[tilespmem:s17+$0x12460] =	vst v5;
	v5 =	vld [tilespmem:s17+$0xA4D0];
	v6 =	vmul.f32 $8.000000000e+00, v6  }
0xd8: {  	[tilespmem:s17+$0x12470] =	vst v4;
	v0 =	vmul.f32 $8.000000000e+00, v0;
	v4 =	vld [tilespmem:s17+$0xA4E0]  }
0xd9: {  	[tilespmem:s17+$0x12480] =	vst v6;
	v1 =	vmul.f32 $8.000000000e+00, v1  }
0xda: {  	[tilespmem:s17+$0x12490] =	vst v0;
	v0 =	vmul.f32 $8.000000000e+00, v2  }
0xdb: {  	[tilespmem:s17+$0x124A0] =	vst v1;
	v1 =	vmul.f32 $8.000000000e+00, v3  }
0xdc: {  	[tilespmem:s17+$0x124B0] =	vst v0;
	v0 =	vmul.f32 $8.000000000e+00, v5  }
0xdd: {  	[tilespmem:s17+$0x124C0] =	vst v1;
	v1 =	vmul.f32 $8.000000000e+00, v4  }
0xde: {  	[tilespmem:s17+$0x124D0] =	vst v0  }
0xdf: {  	s18 =	simm.s32 @!p0 $0xA400;
	s16 =	sadd.s32 @!p0 $0x300, s15;
	[tilespmem:s17+$0x124E0] =	vst v1;
	s17 =	simm.s32 @!p0 $0x80  }
0xe0: {  	[tilespmem:s18], [sflag:$0x3] =	stream.indirect.gather @!p0 [hbm4b:s3+s17], $0x40, s16, s17, $0xb8;
	[tilespmem:$0x16400] =	vst v63  }
0xe1: {  	s18 =	sadd.s32 s14, s8  }
0xe2: {  	s16 =	sshll.u32 s18, $0x4  }
0xe3: {  	s16 =	sand.u32 $0x1FFFF000, s16  }
0xe4: {  	s16 =	sadd.s32 s4, s16  }
0xe5: {  	[hbm4b:s16+s20] =	stream.strided.scatter [tilespmem:s25], [sflag:$0x7], $0x2000, s12, s20, $0x38;
	[tilespmem:$0x16400] =	vst v63  }
0xe6: {  	_ =	swait.ge [sflag:s26], $0x2000  }
0xe7: {  	[sflag:s26] =	ssyncset.done $0x0  }
0xe8: {  	s16 =	simm.s32 @!p1 $0x8;
	[sflag:s26] =	ssyncadd.s32 $0xFFFFE000  }
0xe9: {  	_ =	swait.ge @!p1 [sflag:s16], $0x2000  }
0xea: {  	[sflag:s16] =	ssyncset.done @!p1 $0x0  }
0xeb: {  	[sflag:s16] =	ssyncadd.s32 @!p1 $0xFFFFE000;
	s16 =	simm.s32 $0x0  }
0xec: {  	v0 =	vld [tilespmem:s16+$0xC4F0]  }
0xed: {  	v1 =	vld [tilespmem:s16+$0xC400]  }
0xee: {  	v2 =	vld [tilespmem:s16+$0xC410]  }
0xef: {  	v3 =	vld [tilespmem:s16+$0xC420]  }
0xf0: {  	v6 =	vld [tilespmem:s16+$0xC450]  }
0xf1: {  	v4 =	vld [tilespmem:s16+$0xC430];
	v0 =	vmul.f32 $8.000000000e+00, v0  }
0xf2: {  	v5 =	vld [tilespmem:s16+$0xC440];
	v1 =	vmul.f32 $8.000000000e+00, v1  }
0xf3: {  	v7 =	vld [tilespmem:s16+$0xC460];
	[tilespmem:s16+$0x144F0] =	vst v0;
	v0 =	vmul.f32 $8.000000000e+00, v2  }
0xf4: {  	v8 =	vld [tilespmem:s16+$0xC470];
	[tilespmem:s16+$0x14400] =	vst v1;
	v1 =	vmul.f32 $8.000000000e+00, v3  }
0xf5: {  	v2 =	vmul.f32 $8.000000000e+00, v6;
	[tilespmem:s16+$0x14410] =	vst v0  }
0xf6: {  	v9 =	vld [tilespmem:s16+$0xC480];
	v0 =	vmul.f32 $8.000000000e+00, v4;
	[tilespmem:s16+$0x14420] =	vst v1  }
0xf7: {  	v4 =	vld [tilespmem:s16+$0xC490];
	v1 =	vmul.f32 $8.000000000e+00, v5;
	[tilespmem:s16+$0x14450] =	vst v2  }
0xf8: {  	v3 =	vmul.f32 $8.000000000e+00, v7;
	[tilespmem:s16+$0x14430] =	vst v0;
	v0 =	vld [tilespmem:s16+$0xC4A0]  }
0xf9: {  	v5 =	vmul.f32 $8.000000000e+00, v8;
	[tilespmem:s16+$0x14440] =	vst v1;
	v1 =	vld [tilespmem:s16+$0xC4B0]  }
0xfa: {  	v2 =	vld [tilespmem:s16+$0xC4C0];
	[tilespmem:s16+$0x14460] =	vst v3  }
0xfb: {  	v3 =	vld [tilespmem:s16+$0xC4D0];
	[tilespmem:s16+$0x14470] =	vst v5;
	v5 =	vmul.f32 $8.000000000e+00, v9  }
0xfc: {  	s17 =	simm.s32 $0x100;
	s18 =	simm.s32 $0x800;
	v6 =	vmul.f32 $8.000000000e+00, v4;
	v4 =	vld [tilespmem:s16+$0xC4E0]  }
.LBB2_9:
0xfd: {  	p1 =	sne.s32 s18, $0x7C00;
	v7 =	vld [tilespmem:s17+$0xC4F0];
	[tilespmem:s16+$0x14480] =	vst v5;
	v0 =	vmul.f32 $8.000000000e+00, v0  }
0xfe: {  	v5 =	vld [tilespmem:s17+$0xC400];
	[tilespmem:s16+$0x14490] =	vst v6;
	v1 =	vmul.f32 $8.000000000e+00, v1  }
0xff: {  	v6 =	vld [tilespmem:s17+$0xC410];
	[tilespmem:s16+$0x144A0] =	vst v0;
	v0 =	vmul.f32 $8.000000000e+00, v2  }
0x100: {  	v2 =	vld [tilespmem:s17+$0xC420];
	[tilespmem:s16+$0x144B0] =	vst v1;
	v1 =	vmul.f32 $8.000000000e+00, v3  }
0x101: {  	v3 =	vld [tilespmem:s17+$0xC430];
	[tilespmem:s16+$0x144C0] =	vst v0;
	v0 =	vmul.f32 $8.000000000e+00, v4  }
0x102: {  	v4 =	vld [tilespmem:s17+$0xC440];
	v7 =	vmul.f32 $8.000000000e+00, v7;
	[tilespmem:s16+$0x144D0] =	vst v1  }
0x103: {  	v1 =	vmul.f32 $8.000000000e+00, v5;
	v5 =	vld [tilespmem:s17+$0xC450];
	[tilespmem:s16+$0x144E0] =	vst v0;
	s16 =	smov.u32 s17  }
0x104: {  	v0 =	vmul.f32 $8.000000000e+00, v6;
	v6 =	vld [tilespmem:s16+$0xC460];
	[tilespmem:s16+$0x144F0] =	vst v7  }
0x105: {  	[tilespmem:s16+$0x14400] =	vst v1;
	v1 =	vmul.f32 $8.000000000e+00, v2;
	v2 =	vld [tilespmem:s16+$0xC470]  }
0x106: {  	[tilespmem:s16+$0x14410] =	vst v0;
	v0 =	vmul.f32 $8.000000000e+00, v3;
	v3 =	vld [tilespmem:s16+$0xC480]  }
0x107: {  	[tilespmem:s16+$0x14420] =	vst v1;
	v1 =	vmul.f32 $8.000000000e+00, v4;
	v4 =	vld [tilespmem:s16+$0xC490]  }
.Ltmp3:
0x108: {  	[tilespmem:s16+$0x14430] =	vst v0;
	v5 =	vmul.f32 $8.000000000e+00, v5;
	v0 =	vld [tilespmem:s16+$0xC4A0];
	(pc) =	sbr.rel @p1 .LBB2_9-.Ltmp3, $4  }
0x109: {  	[tilespmem:s16+$0x14440] =	vst v1;
	v6 =	vmul.f32 $8.000000000e+00, v6;
	v1 =	vld [tilespmem:s16+$0xC4B0]  }
0x10a: {  	[tilespmem:s16+$0x14450] =	vst v5;
	v7 =	vmul.f32 $8.000000000e+00, v2;
	v2 =	vld [tilespmem:s16+$0xC4C0]  }
0x10b: {  	[tilespmem:s16+$0x14460] =	vst v6;
	v5 =	vmul.f32 $8.000000000e+00, v3;
	v3 =	vld [tilespmem:s16+$0xC4D0]  }
0x10c: {  	s17 =	sshra.s32 s18, $0x2;
	s18 =	sadd.s32 $0x400, s18;
	[tilespmem:s16+$0x14470] =	vst v7;
	v6 =	vmul.f32 $8.000000000e+00, v4;
	v4 =	vld [tilespmem:s16+$0xC4E0]  }
0x10d: {  	v7 =	vld [tilespmem:s17+$0xC4F0];
	[tilespmem:s16+$0x14480] =	vst v5;
	v0 =	vmul.f32 $8.000000000e+00, v0  }
0x10e: {  	v5 =	vld [tilespmem:s17+$0xC400];
	[tilespmem:s16+$0x14490] =	vst v6;
	v1 =	vmul.f32 $8.000000000e+00, v1  }
0x10f: {  	v6 =	vld [tilespmem:s17+$0xC410];
	[tilespmem:s16+$0x144A0] =	vst v0;
	v2 =	vmul.f32 $8.000000000e+00, v2  }
0x110: {  	v0 =	vld [tilespmem:s17+$0xC420];
	[tilespmem:s16+$0x144B0] =	vst v1;
	v3 =	vmul.f32 $8.000000000e+00, v3  }
0x111: {  	v1 =	vld [tilespmem:s17+$0xC430];
	[tilespmem:s16+$0x144C0] =	vst v2;
	v4 =	vmul.f32 $8.000000000e+00, v4  }
0x112: {  	v2 =	vld [tilespmem:s17+$0xC440];
	[tilespmem:s16+$0x144D0] =	vst v3;
	v7 =	vmul.f32 $8.000000000e+00, v7  }
0x113: {  	v3 =	vld [tilespmem:s17+$0xC450];
	[tilespmem:s16+$0x144E0] =	vst v4;
	v50 =	vmul.f32 $8.000000000e+00, v5  }
0x114: {  	v51 =	vld [tilespmem:s17+$0xC460];
	[tilespmem:s17+$0x144F0] =	vst v7;
	v6 =	vmul.f32 $8.000000000e+00, v6  }
0x115: {  	v52 =	vld [tilespmem:s17+$0xC470];
	[tilespmem:s17+$0x14400] =	vst v50;
	v0 =	vmul.f32 $8.000000000e+00, v0  }
0x116: {  	v53 =	vld [tilespmem:s17+$0xC480];
	[tilespmem:s17+$0x14410] =	vst v6;
	v1 =	vmul.f32 $8.000000000e+00, v1  }
0x117: {  	v54 =	vld [tilespmem:s17+$0xC490];
	[tilespmem:s17+$0x14420] =	vst v0;
	v2 =	vmul.f32 $8.000000000e+00, v2  }
0x118: {  	v55 =	vld [tilespmem:s17+$0xC4A0];
	[tilespmem:s17+$0x14430] =	vst v1;
	v3 =	vmul.f32 $8.000000000e+00, v3  }
0x119: {  	v56 =	vld [tilespmem:s17+$0xC4B0];
	[tilespmem:s17+$0x14440] =	vst v2;
	v5 =	vmul.f32 $8.000000000e+00, v51  }
0x11a: {  	v57 =	vld [tilespmem:s17+$0xC4C0];
	v4 =	vmul.f32 $8.000000000e+00, v52;
	[tilespmem:s17+$0x14450] =	vst v3  }
0x11b: {  	v58 =	vld [tilespmem:s17+$0xC4D0];
	v6 =	vmul.f32 $8.000000000e+00, v53;
	[tilespmem:s17+$0x14460] =	vst v5  }
0x11c: {  	v59 =	vld [tilespmem:s17+$0xC4E0];
	v0 =	vmul.f32 $8.000000000e+00, v54;
	[tilespmem:s17+$0x14470] =	vst v4  }
0x11d: {  	v1 =	vmul.f32 $8.000000000e+00, v55;
	[tilespmem:s17+$0x14480] =	vst v6  }
0x11e: {  	v60 =	vmul.f32 $8.000000000e+00, v56;
	[tilespmem:s17+$0x14490] =	vst v0  }
0x11f: {  	v61 =	vmul.f32 $8.000000000e+00, v57;
	[tilespmem:s17+$0x144A0] =	vst v1  }
0x120: {  	v62 =	vmul.f32 $8.000000000e+00, v58;
	[tilespmem:s17+$0x144B0] =	vst v60  }
0x121: {  	v63 =	vmul.f32 $8.000000000e+00, v59;
	[tilespmem:s17+$0x144C0] =	vst v61  }
0x122: {  	s15 =	sadd.s32 @!p0 $0x380, s15;
	[tilespmem:s17+$0x144D0] =	vst v62  }
0x123: {  	s13 =	sadd.s32 $0x1, s13;
	s16 =	simm.s32 @!p0 $0x80;
	[tilespmem:s17+$0x144E0] =	vst v63;
	s17 =	simm.s32 @!p0 $0xC400  }
0x124: {  	[tilespmem:s17], [sflag:$0x4] =	stream.indirect.gather @!p0 [hbm4b:s3+s16], $0x40, s15, s16, $0xb8;
	[tilespmem:$0x16400] =	vst v63  }
0x125: {  	p0 =	sne.s32 s13, $0x32  }
.Ltmp4:
0x126: {  	s14 =	sadd.s32 s14, s9;
	(pc) =	sbr.rel @p0 .LBB2_2-.Ltmp4, $4  }
0x127: {  	s14 =	sshll.u32 s14, $0x4  }
0x128: {  	s14 =	sand.u32 $0x1FFFF800, s14  }
0x129: {  	s14 =	sadd.s32 s4, s14  }
0x12a: {  	[hbm4b:s14+s20] =	stream.strided.scatter [tilespmem:s28], [sflag:$0x8], $0x2000, s12, s20, $0x38;
	[tilespmem:$0x16400] =	vst v63  }
0x12b: {  	_ =	swait.ge [sflag:s29], $0x2000  }
0x12c: {  	[sflag:s29] =	ssyncset.done $0x0  }
0x12d: {  	[sflag:s29] =	ssyncadd.s32 $0xFFFFE000  }
0x12e: {  	_ =	swait.ge [sflag:s30], $0x2000  }
0x12f: {  	[sflag:s30] =	ssyncset.done $0x0  }
0x130: {  	s0 =	sadd.s32 $0x1, s0;
	[sflag:s30] =	ssyncadd.s32 $0xFFFFE000  }
0x131: {  	p0 =	sne.s32 s0, s10;
	_ =	swait.ge [sflag:s31], $0x2000  }
.Ltmp5:
0x132: {  	[sflag:s31] =	ssyncset.done $0x0;
	(pc) =	sbr.rel @p0 .LBB2_1-.Ltmp5, $4  }
0x133: {  	[sflag:s31] =	ssyncadd.s32 $0xFFFFE000  }
0x134: {  	_ =	swait.ge [sflag:s1], $0x2000  }
0x135: {  	[sflag:s1] =	ssyncset.done $0x0  }
0x136: {  	[sflag:s1] =	ssyncadd.s32 $0xFFFFE000  }
0x137: {  	_ =	sfence.sel $0x180000  }
0x138: {  	[bflag:$0x0] =	sbarrier.arrive $0xFFFF  }
0x139: {  	_ =	strace $0x90000047  }
0x13a: {  	s0 =	stileid.u32;
	[bflag:$0x2] =	sbarrier.arrive $0xFFFF  }
0x13b: {  	p0 =	sne.s32 s0, $0x0;
	s0 =	rddreg [dreg:$0x2]  }
0x13c: {  	s0 =	sadd.s32 @!p0 $0x100000, s0  }
0x13d: {  	[sflag:s0] =	ssyncadd.tile.s32 @!p0 $0x1;
	_ =	shalt  }
.Lfunc_end2:
_tile_overlayer_lowered:
.L_overlay_start_2:
0x13e: {  	(tag) =	ssettag $0x2  }
0x13f: {  	s0 =	rddreg [dreg:$0x0];
	s2 =	stileid.u32  }
0x140: {  	s1 =	rddreg [dreg:$0x1];
	p0 =	sne.s32 s2, $0x0  }
0x141: {  	s3 =	rddreg [dreg:$0x2];
	[bflag:$0x3] =	sbarrier.arrive $0xFFFF;
	s2 =	simm.s32 @!p0 $0x1C09  }
0x142: {  	[timem:s3], [sflag:s2] =	dma.local @!p0 [hbm:s0], s1  }
0x143: {  	s0 =	simm.s32 @!p0 $0x9  }
0x144: {  	_ =	swait.ge @!p0 [sflag:s0], s1  }
0x145: {  	s1 =	ssub.s32 @!p0 $0x0, s1;
	[sflag:s0] =	ssyncset.done @!p0 $0x0  }
0x146: {  	[sflag:s0] =	ssyncadd.s32 @!p0 s1  }
0x147: {  	[bflag:$0x3] =	sbarrier.arrive $0xFFFF  }
0x148: {  	_ =	shalt  }

// kernel: sparse-core-data-format-call.cloned.1.call-start
scs
called_computation_lowered:
.L_overlay_start_0:
0x0: {  	s2 =	sld [smem:$0x3FD9]  }
0x1: {  	s3 =	sld [smem:$0x3FFE];
	_ =	sdelay $0x1  }
0x2: {  	s1 =	srdreg.scid  }
0x3: {  	s0 =	sand.u32 $0x1, s1  }
0x4: {  	s18 =	sshll.u32 s0, $0xA;
	s2 =	sadd.s32 s3, s2  }
0x5: {  	s2 =	sadd.s32 s2, s18  }
0x6: {  	[smem:$0x3FC6] =	sst s2  }
0x7: {  	_ = 	snop  }
0x8: {  	s2 =	sld [smem:$0x3FD0];
	(tm) =	ssettm $0x1  }
0x9: {  	s19 =	sld [smem:$0x3FFB];
	_ =	sdelay $0x3  }
0xa: {  	_ =	strace s19  }
0xb: {  	s3 =	sld [smem:$0x3FFC];
	_ =	sdelay $0x3  }
0xc: {  	_ =	strace s3  }
0xd: {  	s3 =	sld [smem:$0x3FFD];
	_ =	sdelay $0x3  }
0xe: {  	_ =	strace s3  }
0xf: {  	_ =	strace $0x8FFFFFFF  }
0x10: {  	s20 =	sld [smem:$0x3FDB];
	_ =	sdelay $0x1  }
0x11: {  	s4 =	simm.s32 $_scs_section_size  }
0x12: {  	s5 =	simm.s32 $_size__tile_overlayer_lowered;
	s6 =	simm.s32 $_tile_overlayer_lowered  }
0x13: {  	s23 =	simm.s32 $0x1BFF;
	s22 =	sshll.u32 s6, $0x1;
	s3 =	sadd.s32 s4, s20  }
0x14: {  	s7 =	simm.s32 $0x0;
	s21 =	sshll.u32 s5, $0x1;
	s5 =	sadd.s32 s22, s3  }
0x15: {  	[timem:s7], [sflag:s23] =	dma.local [hbm:s5], s21  }
0x16: {  	_ =	swait.ge [sflag:s23], s21  }
0x17: {  	s4 =	ssub.s32 $0x0, s21;
	[sflag:s23] =	ssyncset.done $0x0  }
0x18: {  	[sflag:s23] =	ssyncadd.s32 s4;
	_ =	sdelay $0x1  }
0x19: {  	s24 =	simm.s32 $0x1B8B  }
0x1a: {  	_ =	swait.ge [sflag:s24], $0x1  }
0x1b: {  	[sflag:s24] =	ssyncset.done $0x0  }
0x1c: {  	s26 =	simm.s32 $0x1B8E;
	s25 =	sld [smem:$0x3FFE];
	[sflag:s24] =	ssyncadd.s32 $0xFFFFFFFF  }
0x1d: {  	s27 =	simm.s32 $execute0_lowered;
	[smem:$0x3FD2] =	sst s26  }
0x1e: {  	s5 =	sshll.u32 s27, $0x1;
	_ =	strace $0x80000049;
	[dreg:$0x1] =	wrdreg $0xFFFFFFFF  }
0x1f: {  	s28 =	simm.s32 $_size_execute0_lowered;
	s3 =	sadd.s32 s3, s5;
	[dreg:$0x0] =	wrdreg $0x0  }
0x20: {  	s5 =	sshll.u32 s28, $0x1;
	[dreg:$0x2] =	wrdreg s3  }
0x21: {  	[dreg:$0x3] =	wrdreg s5  }
0x22: {  	[dreg:$0x4] =	wrdreg $0xC0  }
0x23: {  	_ =	task [dreg:s7], $0x5FFFF  }
0x24: {  	[dreg:$0x1] =	wrdreg $0xFFFFFFFF  }
0x25: {  	[dreg:$0x0] =	wrdreg $0x60  }
0x26: {  	[dreg:$0x2] =	wrdreg s25  }
0x27: {  	[dreg:$0x3] =	wrdreg s2  }
0x28: {  	[dreg:$0x4] =	wrdreg $0x9  }
0x29: {  	_ =	task.clear_ibuf [dreg:s7], $0x5FFFF;
	_ =	strace $0x90000049  }
0x2a: {  	s29 =	simm.s32 $0x9;
	_ =	strace $0x8000004B  }
0x2b: {  	_ =	swait.ge [sflag:s29], $0x1  }
0x2c: {  	[sflag:s29] =	ssyncadd.s32 $0xFFFFFFFF  }
0x2d: {  	_ =	strace $0x9000004B  }
0x2e: {  	_ =	sfence  }
0x2f: {  	s30 =	sld [smem:$0x0];
	_ =	sdelay $0x2  }
0x30: {  	s31 =	sshll.u32 s1, $0xD;
	s1 =	sshrl.u32 s1, $0x2  }
0x31: {  	s3 =	sand.u32 $0x4000, s31;
	s1 =	sadd.s32 s1, s30  }
0x32: {  	s0 =	sor.u32 s3, s0;
	s1 =	sshll.u32 s1, $0x11  }
0x33: {  	s0 =	sor.u32 s1, s0  }
0x34: {  	s0 =	sadd.s32 $0x8F2B, s0  }
0x35: {  	[sflag:s0] =	ssyncadd.remote.s32 $0x1  }
0x36: {  	_ =	sfence.sel $0xFFFF  }
0x37: {  	[dreg:$0x0] =	wrdreg $0xFFFFFFFF;
	(pc) =	sbr.abs _section_cstart, $3  }
0x38: {  	[dreg:$0x1] =	wrdreg $0xFFFFFFFF  }
0x39: {  	_ =	task.clear_ibuf [dreg:s7], $0x2FFFF;
	_ =	strace $0x9FFFFFFF  }
0x3a: {  	(tm) =	ssettm $0x7FFFFFFF  }
0x3b: {  	_ =	shalt  }
tec
execute0_lowered:
.L_overlay_start_1:
0x0: {  	(tag) =	ssettag $0x1  }
0x1: {  	s0 =	srdreg.scid  }
0x2: {  	s1 =	sshll.u32 s0, $0x4  }
0x3: {  	s0 =	stileid.u32;
	s1 =	sand.u32 $0x10, s1  }
0x4: {  	s1 =	sor.u32 s0, s1  }
0x5: {  	s6 =	rddreg [dreg:$0x0];
	s4 =	simm.s32 $0x1;
	s2 =	sshll.u32 s1, $0x7  }
0x6: {  	s7 =	simm.s32 $0x2;
	s12 =	simm.s32 $0x0;
	s1 =	ssub.s32 $0x1000, s2  }
0x7: {  	s8 =	simm.s32 $0x8000;
	s13 =	simm.s32 $0x0;
	s3 =	sand.u32 $0xF80, s1  }
0x8: {  	s9 =	simm.s32 $0x0;
	s5 =	sshrl.u32 s1, $0xC;
	p0 =	sne.s32 s3, $0x0  }
.Ltmp0:
0x9: {  	s1 =	rddreg [dreg:$0x2];
	s4 =	simm.s32 @!p0 $0x0;
	(pc) =	sbr.rel .LBB1_1-.Ltmp0, $4  }
0xa: {  	s11 =	simm.s32 $0x0;
	s3 =	rddreg [dreg:$0x1];
	s5 =	sadd.s32 s4, s5  }
0xb: {  	_ =	strace $0x8000004A;
	s4 =	simm.s32 $0x1;
	s5 =	smul.u32 $0xC8, s5  }
0xc: {  	s6 =	sadd.s32 $0xA00, s6;
	s10 =	smov.u32 s2;
	[sflag:s4] =	ssyncpa.u1 $0x0  }
0xd: {  	p0 =	por $0x0, $0x0;
	[sflag:s7] =	ssyncpa.u1 $0x0;
	s7 =	sor.u32 $0x1, s5  }
.LBB1_4:
0xe: {  	s16 =	sshll.u32 s13, $0x3;
	s17 =	sand.u32 $0x78, s13  }
0xf: {  	s30 =	sand.u32 $0x7E00, s13;
	s12 =	sshll.u32 s12, $0xF;
	s16 =	sand.u32 $0xC00, s16  }
0x10: {  	[tilespmem:s15+$0x810 ss:$0x81] =	vst.msk $0xffff, v2;
	s31 =	sand.u32 $0x7, s13;
	s16 =	sor.u32 s17, s16;
	s17 =	sadd.s32 s3, s30  }
0x11: {  	[tilespmem:s15+$0x1020 ss:$0x81] =	vst.msk $0xffff, v0;
	s13 =	sshll.u32 s31, $0x12;
	s12 =	sadd.s32 s12, s17;
	s16 =	sshrl.u32 s16, $0x3  }
0x12: {  	[tilespmem:s15+$0x0 ss:$0x81] =	vst.msk $0xffff, v1;
	s13 =	sor.u32 $0x400, s13;
	s12 =	sadd.s32 s16, s12  }
0x13: {  	[hbm4b:s12+s13] =	stream.strided.scatter [tilespmem:s14], [sflag:$0x2], $0x2000, s8, s13, $0x20;
	[tilespmem:$0x8080] =	vst v63  }
.LBB1_5:
0x14: {  	s14 =	sadd.s32 $0x1, s9  }
0x15: {  	s12 =	sadd.s32 $0x1000, s10;
	s16 =	smov.u32 s10;
	p2 =	sgt.s32 s14, $0xC7  }
0x16: {  	s16 =	smov.u32 @p2 s12  }
0x17: {  	s14 =	simm.s32 @p2 $0x0;
	p2 =	sgt.s32 s16, $0xFFF  }
0x18: {  	s16 =	smov.u32 @p2 s2;
	p2 =	sne.s32 s11, s7  }
.Ltmp1:
0x19: {  	p1 =	slt.u32 s11, $0x2;
	(pc) =	sbr.rel @!p2 .LBB1_6-.Ltmp1, $4  }
0x1a: {  	s15 =	simm.s32 @!p1 $0x2  }
0x1b: {  	s13 =	smov.u32 s10;
	p0 =	por !p0, !p0;
	_ =	swait.ge @!p1 [sflag:s15], $0x2000  }
0x1c: {  	s12 =	smov.u32 s9;
	[sflag:s15] =	ssyncset.done @!p1 $0x0;
	s9 =	smov.u32 s14  }
0x1d: {  	s11 =	sadd.s32 $0x1, s11;
	[sflag:s15] =	ssyncadd.s32 @!p1 $0xFFFFE000;
	s10 =	smov.u32 s16  }
.LBB1_1:
0x1e: {  	p1 =	sge.u32 s11, s5  }
0x1f: {  	s14 =	sand.u32 @!p1 $0x1FFFFFF, s9  }
0x20: {  	s15 =	smulhi.u32 @!p1 $0x147AE15, s14;
	_ =	sdelay $0x1  }
0x21: {  	s15 =	smul.u32 @!p1 $0xC8, s15  }
0x22: {  	s16 =	sxor.u32 @!p1 $0xFFFFFFFF, s11;
	s17 =	smul.u32 @!p1 $0xC80, s10  }
0x23: {  	s31 =	sadd.s32 $0xFFFFFFFF, s11;
	s16 =	sshll.u32 @!p1 s16, $0xD;
	s14 =	ssub.s32 @!p1 s14, s15  }
0x24: {  	s15 =	sand.u32 @!p1 $0x2000, s16;
	s16 =	sadd.s32 @!p1 s6, s17;
	s14 =	sshll.u32 @!p1 s14, $0x4  }
0x25: {  	s17 =	simm.s32 @!p1 $0x6400;
	s14 =	sadd.s32 @!p1 s14, s16;
	s16 =	simm.s32 @!p1 $0x40  }
0x26: {  	[tilespmem:s15], [sflag:$0x1] =	stream.strided.gather @!p1 [hbm4b:s14+s16], $0x2000, s17, s16, $0x38;
	[tilespmem:$0x8080] =	vst v63  }
0x27: {  	p1 =	sge.u32 s31, s5  }
.Ltmp2:
0x28: {  	_ = 	snop;
	(pc) =	sbr.rel @p1 .LBB1_5-.Ltmp2, $1  }
0x29: {  	_ =	sdelay $0x3  }
0x2a: {  	s14 =	simm.s32 $0x1  }
0x2b: {  	_ =	swait.ge [sflag:s4], $0x2000;
	s14 =	simm.s32 @!p0 $0x0  }
0x2c: {  	[sflag:s4] =	ssyncset.done $0x0;
	s15 =	sshll.u32 s14, $0xD  }
0x2d: {  	[sflag:s4] =	ssyncadd.s32 $0xFFFFE000;
	s18 =	sor.u32 $0x20, s15  }
0x2e: {  	s14 =	smul.u32 $0x8100, s14;
	v3 =	vld [tilespmem:s18+$0x10]  }
0x2f: {  	s30 =	sand.u32 $0x1, s11;
	v2 =	vld [tilespmem:s18+$0xFFFFFFF0]  }
0x30: {  	s15 =	smul.u32 $0x8100, s30;
	s14 =	sshrl.u32 s14, $0x2;
	v0 =	vld [tilespmem:s18+$0x0]  }
0x31: {  	v1 =	vld [tilespmem:s18+$0xFFFFFFE0];
	s16 =	sor.u32 $0x4000, s14  }
0x32: {  	s31 =	sshrl.u32 s15, $0x2;
	s15 =	sadd.s32 $0x0, s16  }
0x33: {  	s17 =	simm.s32 $0x4;
	s18 =	sadd.s32 $0x40, s18;
	s14 =	sor.u32 $0x4000, s31;
	[tilespmem:s15+$0x1830 ss:$0x81] =	vst.msk $0xffff, v3  }
.LBB1_3:
0x34: {  	v3 =	vld [tilespmem:s18+$0x10];
	p1 =	sne.s32 s17, $0x1FC;
	[tilespmem:s15+$0x810 ss:$0x81] =	vst.msk $0xffff, v2;
	s19 =	smov.u32 s17;
	s17 =	sadd.s32 $0x4, s17  }
.Ltmp3:
0x35: {  	v2 =	vld [tilespmem:s18+$0xFFFFFFF0];
	[tilespmem:s15+$0x1020 ss:$0x81] =	vst.msk $0xffff, v0;
	(pc) =	sbr.rel @p1 .LBB1_3-.Ltmp3, $4  }
0x36: {  	v0 =	vld [tilespmem:s18+$0x0];
	[tilespmem:s15+$0x0 ss:$0x81] =	vst.msk $0xffff, v1  }
0x37: {  	s15 =	sshra.s32 s19, $0x2;
	v1 =	vld [tilespmem:s18+$0xFFFFFFE0]  }
0x38: {  	s15 =	sadd.s32 s15, s16  }
0x39: {  	s18 =	sadd.s32 $0x40, s18;
	[tilespmem:s15+$0x1830 ss:$0x81] =	vst.msk $0xffff, v3  }
.Ltmp4:
0x3a: {  	_ = 	snop;
	(pc) =	sbr.rel .LBB1_4-.Ltmp4, $1  }
0x3b: {  	_ =	sdelay $0x3  }
.LBB1_6:
0x3c: {  	_ =	sfence.sel $0x180000  }
0x3d: {  	s2 =	simm.s32 $0x1;
	[bflag:$0x0] =	sbarrier.arrive $0xFFFF  }
0x3e: {  	s31 =	simm.s32 $0x2;
	[sflag:s2] =	ssyncpa.u1 $0x1  }
0x3f: {  	[sflag:s31] =	ssyncpa.u1 $0x1  }
0x40: {  	p0 =	sne.s32 s0, $0x0;
	_ =	strace $0x9000004A  }
0x41: {  	s0 =	sadd.s32 @!p0 $0x100000, s1;
	[bflag:$0x2] =	sbarrier.arrive $0xFFFF  }
0x42: {  	[sflag:s0] =	ssyncadd.tile.s32 @!p0 $0x1;
	_ =	shalt  }
.Lfunc_end1:
_tile_overlayer_lowered:
.L_overlay_start_2:
0x43: {  	(tag) =	ssettag $0x2  }
0x44: {  	s0 =	rddreg [dreg:$0x0];
	s2 =	stileid.u32  }
0x45: {  	s1 =	rddreg [dreg:$0x1];
	p0 =	sne.s32 s2, $0x0  }
0x46: {  	s3 =	rddreg [dreg:$0x2];
	[bflag:$0x3] =	sbarrier.arrive $0xFFFF;
	s2 =	simm.s32 @!p0 $0x1C01  }
0x47: {  	[timem:s3], [sflag:s2] =	dma.local @!p0 [hbm:s0], s1  }
0x48: {  	s0 =	simm.s32 @!p0 $0x1  }
0x49: {  	_ =	swait.ge @!p0 [sflag:s0], s1  }
0x4a: {  	s1 =	ssub.s32 @!p0 $0x0, s1;
	[sflag:s0] =	ssyncset.done @!p0 $0x0  }
0x4b: {  	[sflag:s0] =	ssyncadd.s32 @!p0 s1  }
0x4c: {  	[bflag:$0x3] =	sbarrier.arrive $0xFFFF  }
0x4d: {  	_ =	shalt  }

</sc_bundles>
